<compile_context>
chip_gen: v7x
topology: tpu7x:2x2x1
jax: 0.10.2.dev20260603
libtpu: 0.0.44.dev20260713+nightly
codegen_flags: <defaults>
</compile_context>

<pallas_src>
import jax
import jax.numpy as jnp
from jax import lax
from jax.experimental import pallas as pl
from jax.experimental.pallas import tpu as pltpu
from jax.experimental.pallas import tpu_sc as plsc

N = 10000
D = 128
DP = 136
E = 320000
NSUB = 16
EPT = E // NSUB
K = 80
CHUNKS = EPT // K
NB = 4
NITER = CHUNKS // NB
NTAIL = CHUNKS - NITER * NB
RPT = N // NSUB
L = 16


def _sc_body(xp, epk, zblk, out0, out1,
             pk0b, pk1b, pk2b, pk3b, is0, is1, is2, is3,
             id0, id1, id2, id3, rows0, rows1, rows2, rows3,
             g0, g1, g2, g3, s0, s1, s2, s3, p0, p1, p2, p3, acc):
    pk = [pk0b, pk1b, pk2b, pk3b]
    rows = [rows0, rows1, rows2, rows3]
    idx_s = [is0, is1, is2, is3]
    idx_d = [id0, id1, id2, id3]
    gs = [g0, g1, g2, g3]
    ss = [s0, s1, s2, s3]
    ps = [p0, p1, p2, p3]
    c = lax.axis_index("c")
    s = lax.axis_index("s")
    r0 = s * RPT

    def unpack(pkb, isb, idb, cnt):
        for v in range(cnt // L):
            p = pkb[pl.ds(v * L, L)]
            isb[pl.ds(v * L, L)] = lax.bitwise_and(p, jnp.int32(0xFFFF))
            idb[pl.ds(v * L, L)] = lax.shift_right_logical(p, jnp.int32(16))

    for b in range(NB):
        pltpu.async_copy(epk.at[c, s, pl.ds(b * K, K)], pk[b], ps[b])
    pltpu.sync_copy(zblk, acc.at[pl.ds(r0, RPT), :])
    plsc.subcore_barrier()

    def body(i, carry):
        for b in range(NB):
            j = i * NB + b

            @pl.when(i > 0)
            def _():
                pltpu.make_async_copy(rows[b], acc.at[idx_d[b]], ss[b]).wait()

            pltpu.make_async_copy(epk.at[c, s, pl.ds(j * K, K)], pk[b],
                                  ps[b]).wait()
            unpack(pk[b], idx_s[b], idx_d[b], K)
            jn = jnp.minimum(j + NB, CHUNKS - 1)
            pltpu.async_copy(epk.at[c, s, pl.ds(jn * K, K)], pk[b], ps[b])
            pltpu.async_copy(xp.at[idx_s[b]], rows[b], gs[b])
        for b in range(NB):
            pltpu.make_async_copy(xp.at[idx_s[b]], rows[b], gs[b]).wait()
            pltpu.async_copy(rows[b], acc.at[idx_d[b]], ss[b], add=True)
        return carry

    lax.fori_loop(0, NITER, body, 0)
    for b in range(NB):
        pltpu.make_async_copy(rows[b], acc.at[idx_d[b]], ss[b]).wait()
        pltpu.make_async_copy(epk.at[c, s, pl.ds(0, K)], pk[b], ps[b]).wait()
    for t in range(NTAIL):
        j = NITER * NB + t
        pltpu.async_copy(epk.at[c, s, pl.ds(j * K, K)], pk[t], ps[t]).wait()
        unpack(pk[t], idx_s[t], idx_d[t], K)
        pltpu.async_copy(xp.at[idx_s[t]], rows[t], gs[t]).wait()
        pltpu.async_copy(rows[t], acc.at[idx_d[t]], ss[t], add=True).wait()
    plsc.subcore_barrier()

    @pl.when(c == 0)
    def _():
        pltpu.sync_copy(acc.at[pl.ds(r0, RPT), :], out0.at[pl.ds(r0, RPT), :])

    @pl.when(c == 1)
    def _():
        pltpu.sync_copy(acc.at[pl.ds(r0, RPT), :], out1.at[pl.ds(r0, RPT), :])


_sc_agg = pl.kernel(
    _sc_body,
    out_type=[jax.ShapeDtypeStruct((N, DP), jnp.float32),
              jax.ShapeDtypeStruct((N, DP), jnp.float32)],
    mesh=plsc.VectorSubcoreMesh(core_axis_name="c", subcore_axis_name="s"),
    compiler_params=pltpu.CompilerParams(use_tc_tiling_on_sc=False),
    scratch_types=[
        pltpu.VMEM((K,), jnp.int32),
        pltpu.VMEM((K,), jnp.int32),
        pltpu.VMEM((K,), jnp.int32),
        pltpu.VMEM((K,), jnp.int32),
        pltpu.VMEM((K,), jnp.int32),
        pltpu.VMEM((K,), jnp.int32),
        pltpu.VMEM((K,), jnp.int32),
        pltpu.VMEM((K,), jnp.int32),
        pltpu.VMEM((K,), jnp.int32),
        pltpu.VMEM((K,), jnp.int32),
        pltpu.VMEM((K,), jnp.int32),
        pltpu.VMEM((K,), jnp.int32),
        pltpu.VMEM((K, DP), jnp.float32),
        pltpu.VMEM((K, DP), jnp.float32),
        pltpu.VMEM((K, DP), jnp.float32),
        pltpu.VMEM((K, DP), jnp.float32),
        pltpu.SemaphoreType.DMA,
        pltpu.SemaphoreType.DMA,
        pltpu.SemaphoreType.DMA,
        pltpu.SemaphoreType.DMA,
        pltpu.SemaphoreType.DMA,
        pltpu.SemaphoreType.DMA,
        pltpu.SemaphoreType.DMA,
        pltpu.SemaphoreType.DMA,
        pltpu.SemaphoreType.DMA,
        pltpu.SemaphoreType.DMA,
        pltpu.SemaphoreType.DMA,
        pltpu.SemaphoreType.DMA,
        pltpu.VMEM_SHARED((N, DP), jnp.float32),
    ],
)


def _tc_body(a0, a1, w0, w1, o):
    v0 = a0[...]
    v1 = a1[...]
    s0 = 0.5 / jnp.maximum(v0[:, D:D + 1], 1.0)
    s1 = 0.5 / jnp.maximum(v1[:, D:D + 1], 1.0)
    acc = jnp.dot(v0[:, :D] * s0, w0[...], preferred_element_type=jnp.float32,
                  precision=lax.Precision.HIGHEST)
    acc = acc + jnp.dot(v1[:, :D] * s1, w1[...], preferred_element_type=jnp.float32,
                        precision=lax.Precision.HIGHEST)
    o[...] = acc


_BN = 400

_tc_fin = pl.pallas_call(
    _tc_body,
    grid=(N // _BN,),
    in_specs=[
        pl.BlockSpec((_BN, DP), lambda i: (i, 0)),
        pl.BlockSpec((_BN, DP), lambda i: (i, 0)),
        pl.BlockSpec((D, D), lambda i: (0, 0)),
        pl.BlockSpec((D, D), lambda i: (0, 0)),
    ],
    out_specs=pl.BlockSpec((_BN, D), lambda i: (i, 0)),
    out_shape=jax.ShapeDtypeStruct((N, D), jnp.float32),
)


def kernel(x, edge_index_mp0, edge_index_mp1, W_mp0, W_mp1):
    xp = jnp.concatenate(
        [x, jnp.ones((N, 1), x.dtype), jnp.zeros((N, DP - D - 1), x.dtype)],
        axis=1)
    pk0 = edge_index_mp0[0] | (edge_index_mp0[1] << 16)
    pk1 = edge_index_mp1[0] | (edge_index_mp1[1] << 16)
    epk = jnp.stack([pk0, pk1]).reshape(2, NSUB, EPT)
    zblk = jnp.zeros((RPT, DP), jnp.float32)
    agg0, agg1 = _sc_agg(xp, epk, zblk)
    return _tc_fin(agg0, agg1, W_mp0, W_mp1)

# --- scband reference (transcript-rebuilt; emitter-appended) ---
"""Pipeline reference for scband-metapath-conv-73547019977201 (READ-ONLY COPY).

The authoritative reference and input builder live on the scoring server;
editing this copy changes nothing except your own understanding.
"""

import jax, jax.numpy as jnp
import numpy as np

N = 10000
D = 128
E = 320000


def _graph_conv(x, edge_index, W):
    # mean-aggregation GraphConv: gather src feats, scatter-mean to dst, linear
    src = edge_index[0]
    dst = edge_index[1]
    msgs = jnp.take(x, src, axis=0)
    agg = jax.ops.segment_sum(msgs, dst, num_segments=N)
    deg = jax.ops.segment_sum(jnp.ones((edge_index.shape[1],), dtype=x.dtype), dst, num_segments=N)
    agg = agg / jnp.clip(deg, 1.0, None)[:, None]
    return agg @ W


def setup_inputs(seed: int = 0):
    key = jax.random.key(seed)
    k = jax.random.split(key, 5)
    x = jax.random.normal(k[0], (N, D), dtype=jnp.float32)
    edge_index_mp0 = jax.random.randint(k[1], (2, E), 0, N, dtype=jnp.int32)
    edge_index_mp1 = jax.random.randint(k[2], (2, E), 0, N, dtype=jnp.int32)
    W_mp0 = jax.random.normal(k[3], (D, D), dtype=jnp.float32) / np.sqrt(D)
    W_mp1 = jax.random.normal(k[4], (D, D), dtype=jnp.float32) / np.sqrt(D)
    return {"x": x, "edge_index_mp0": edge_index_mp0, "edge_index_mp1": edge_index_mp1, "W_mp0": W_mp0, "W_mp1": W_mp1}


def reference(x, edge_index_mp0, edge_index_mp1, W_mp0, W_mp1):
    # MetapathConv.forward: run per-metapath homogeneous GNN (self.mods[mp](new_g, h)),
    # .flatten(1) each result, collect per dst ntype, then semantic fusion (mean macro_func).
    out0 = _graph_conv(x, edge_index_mp0, W_mp0).reshape(N, -1)  # .flatten(1)
    out1 = _graph_conv(x, edge_index_mp1, W_mp1).reshape(N, -1)
    fused = jnp.mean(jnp.stack([out0, out1], axis=0), axis=0)  # SemanticConv = mean
    return fused

if __name__ == "__main__":
    import jax
    _d = setup_inputs()
    print(jax.jit(kernel)(*tuple(_d.values())))

</pallas_src>

<mosaic_0001>
#map = affine_map<(d0, d1) -> (0, 0)>
#map1 = affine_map<(d0, d1) -> (0, 0, 0)>
module attributes {stable_mosaic.version = 14 : i64} {
  func.func @_sc_body(%arg0: i32, %arg1: i32, %arg2: memref<10000x136xf32, #tpu.memory_space<hbm>>, %arg3: memref<2x16x20000xi32, #tpu.memory_space<hbm>>, %arg4: memref<625x136xf32, #tpu.memory_space<hbm>>, %arg5: memref<10000x136xf32, #tpu.memory_space<hbm>>, %arg6: memref<10000x136xf32, #tpu.memory_space<hbm>>, %arg7: memref<80xi32, #tpu.memory_space<vmem>>, %arg8: memref<80xi32, #tpu.memory_space<vmem>>, %arg9: memref<80xi32, #tpu.memory_space<vmem>>, %arg10: memref<80xi32, #tpu.memory_space<vmem>>, %arg11: memref<80xi32, #tpu.memory_space<vmem>>, %arg12: memref<80xi32, #tpu.memory_space<vmem>>, %arg13: memref<80xi32, #tpu.memory_space<vmem>>, %arg14: memref<80xi32, #tpu.memory_space<vmem>>, %arg15: memref<80xi32, #tpu.memory_space<vmem>>, %arg16: memref<80xi32, #tpu.memory_space<vmem>>, %arg17: memref<80xi32, #tpu.memory_space<vmem>>, %arg18: memref<80xi32, #tpu.memory_space<vmem>>, %arg19: memref<80x136xf32, #tpu.memory_space<vmem>>, %arg20: memref<80x136xf32, #tpu.memory_space<vmem>>, %arg21: memref<80x136xf32, #tpu.memory_space<vmem>>, %arg22: memref<80x136xf32, #tpu.memory_space<vmem>>, %arg23: memref<!tpu.dma_semaphore, #tpu.memory_space<semaphore_mem>>, %arg24: memref<!tpu.dma_semaphore, #tpu.memory_space<semaphore_mem>>, %arg25: memref<!tpu.dma_semaphore, #tpu.memory_space<semaphore_mem>>, %arg26: memref<!tpu.dma_semaphore, #tpu.memory_space<semaphore_mem>>, %arg27: memref<!tpu.dma_semaphore, #tpu.memory_space<semaphore_mem>>, %arg28: memref<!tpu.dma_semaphore, #tpu.memory_space<semaphore_mem>>, %arg29: memref<!tpu.dma_semaphore, #tpu.memory_space<semaphore_mem>>, %arg30: memref<!tpu.dma_semaphore, #tpu.memory_space<semaphore_mem>>, %arg31: memref<!tpu.dma_semaphore, #tpu.memory_space<semaphore_mem>>, %arg32: memref<!tpu.dma_semaphore, #tpu.memory_space<semaphore_mem>>, %arg33: memref<!tpu.dma_semaphore, #tpu.memory_space<semaphore_mem>>, %arg34: memref<!tpu.dma_semaphore, #tpu.memory_space<semaphore_mem>>, %arg35: memref<10000x136xf32, #tpu.memory_space<vmem_shared>>) attributes {dimension_semantics = [#tpu.dimension_semantics<core_parallel>, #tpu.dimension_semantics<subcore_parallel>], iteration_bounds = array<i64: 2, 16>, scalar_prefetch = 0 : i64, scratch_operands = 29 : i64, tpu.core_type = #tpu.core_type<sc_vector_subcore>, window_params = [{transform_indices = #map}, {transform_indices = #map1}, {transform_indices = #map}, {transform_indices = #map}, {transform_indices = #map}]} {
    %mul3A = arith.constant 625 : i32
    %mul3A_0 = arith.muli %arg1, %mul3A : i32
    %dma_start3A = arith.constant 0 : i32
    %dma_start3A_1 = tpu.memref_slice %arg3[%arg0, %arg1, %dma_start3A] : memref<2x16x20000xi32, #tpu.memory_space<hbm>> -> memref<1x1x80xi32, #tpu.memory_space<hbm>>
    %dma_start3A_2 = tpu.memref_squeeze %dma_start3A_1 : memref<1x1x80xi32, #tpu.memory_space<hbm>> -> memref<80xi32, #tpu.memory_space<hbm>>
    %dma_start3A_3 = arith.constant 0 : i32
    %dma_start3A_4 = tpu.memref_slice %arg3[%arg0, %arg1, %dma_start3A_3] : memref<2x16x20000xi32, #tpu.memory_space<hbm>> -> memref<1x1x80xi32, #tpu.memory_space<hbm>>
    %dma_start3A_5 = tpu.memref_squeeze %dma_start3A_4 : memref<1x1x80xi32, #tpu.memory_space<hbm>> -> memref<80xi32, #tpu.memory_space<hbm>>
    tpu.enqueue_dma source(%dma_start3A_5 : memref<80xi32, #tpu.memory_space<hbm>>) target(%arg7 : memref<80xi32, #tpu.memory_space<vmem>>) target_semaphore(%arg31 : memref<!tpu.dma_semaphore, #tpu.memory_space<semaphore_mem>>)
    %dma_start3A_6 = arith.constant 80 : i32
    %dma_start3A_7 = tpu.memref_slice %arg3[%arg0, %arg1, %dma_start3A_6] : memref<2x16x20000xi32, #tpu.memory_space<hbm>> -> memref<1x1x80xi32, #tpu.memory_space<hbm>>
    %dma_start3A_8 = tpu.memref_squeeze %dma_start3A_7 : memref<1x1x80xi32, #tpu.memory_space<hbm>> -> memref<80xi32, #tpu.memory_space<hbm>>
    %dma_start3A_9 = arith.constant 80 : i32
    %dma_start3A_10 = tpu.memref_slice %arg3[%arg0, %arg1, %dma_start3A_9] : memref<2x16x20000xi32, #tpu.memory_space<hbm>> -> memref<1x1x80xi32, #tpu.memory_space<hbm>>
    %dma_start3A_11 = tpu.memref_squeeze %dma_start3A_10 : memref<1x1x80xi32, #tpu.memory_space<hbm>> -> memref<80xi32, #tpu.memory_space<hbm>>
    tpu.enqueue_dma source(%dma_start3A_11 : memref<80xi32, #tpu.memory_space<hbm>>) target(%arg8 : memref<80xi32, #tpu.memory_space<vmem>>) target_semaphore(%arg32 : memref<!tpu.dma_semaphore, #tpu.memory_space<semaphore_mem>>)
    %dma_start3A_12 = arith.constant 160 : i32
    %dma_start3A_13 = tpu.memref_slice %arg3[%arg0, %arg1, %dma_start3A_12] : memref<2x16x20000xi32, #tpu.memory_space<hbm>> -> memref<1x1x80xi32, #tpu.memory_space<hbm>>
    %dma_start3A_14 = tpu.memref_squeeze %dma_start3A_13 : memref<1x1x80xi32, #tpu.memory_space<hbm>> -> memref<80xi32, #tpu.memory_space<hbm>>
    %dma_start3A_15 = arith.constant 160 : i32
    %dma_start3A_16 = tpu.memref_slice %arg3[%arg0, %arg1, %dma_start3A_15] : memref<2x16x20000xi32, #tpu.memory_space<hbm>> -> memref<1x1x80xi32, #tpu.memory_space<hbm>>
    %dma_start3A_17 = tpu.memref_squeeze %dma_start3A_16 : memref<1x1x80xi32, #tpu.memory_space<hbm>> -> memref<80xi32, #tpu.memory_space<hbm>>
    tpu.enqueue_dma source(%dma_start3A_17 : memref<80xi32, #tpu.memory_space<hbm>>) target(%arg9 : memref<80xi32, #tpu.memory_space<vmem>>) target_semaphore(%arg33 : memref<!tpu.dma_semaphore, #tpu.memory_space<semaphore_mem>>)
    %dma_start3A_18 = arith.constant 240 : i32
    %dma_start3A_19 = tpu.memref_slice %arg3[%arg0, %arg1, %dma_start3A_18] : memref<2x16x20000xi32, #tpu.memory_space<hbm>> -> memref<1x1x80xi32, #tpu.memory_space<hbm>>
    %dma_start3A_20 = tpu.memref_squeeze %dma_start3A_19 : memref<1x1x80xi32, #tpu.memory_space<hbm>> -> memref<80xi32, #tpu.memory_space<hbm>>
    %dma_start3A_21 = arith.constant 240 : i32
    %dma_start3A_22 = tpu.memref_slice %arg3[%arg0, %arg1, %dma_start3A_21] : memref<2x16x20000xi32, #tpu.memory_space<hbm>> -> memref<1x1x80xi32, #tpu.memory_space<hbm>>
    %dma_start3A_23 = tpu.memref_squeeze %dma_start3A_22 : memref<1x1x80xi32, #tpu.memory_space<hbm>> -> memref<80xi32, #tpu.memory_space<hbm>>
    tpu.enqueue_dma source(%dma_start3A_23 : memref<80xi32, #tpu.memory_space<hbm>>) target(%arg10 : memref<80xi32, #tpu.memory_space<vmem>>) target_semaphore(%arg34 : memref<!tpu.dma_semaphore, #tpu.memory_space<semaphore_mem>>)
    "tpu.region"() ({
      %run_scoped3A = tpu.sem_alloc : memref<!tpu.dma_semaphore, #tpu.memory_space<semaphore_mem>>
      %dma_start3A_286 = arith.constant 0 : i32
      %dma_start3A_287 = tpu.memref_slice %arg35[%mul3A_0, %dma_start3A_286] : memref<10000x136xf32, #tpu.memory_space<vmem_shared>> -> memref<625x136xf32, #tpu.memory_space<vmem_shared>>
      tpu.enqueue_dma source(%arg4 : memref<625x136xf32, #tpu.memory_space<hbm>>) target(%dma_start3A_287 : memref<625x136xf32, #tpu.memory_space<vmem_shared>>) target_semaphore(%run_scoped3A : memref<!tpu.dma_semaphore, #tpu.memory_space<semaphore_mem>>)
      %dma_wait3A_288 = arith.constant 0 : i32
      %dma_wait3A_289 = tpu.memref_slice %arg35[%mul3A_0, %dma_wait3A_288] : memref<10000x136xf32, #tpu.memory_space<vmem_shared>> -> memref<625x136xf32, #tpu.memory_space<vmem_shared>>
      tpu.wait_dma2 semaphore(%run_scoped3A : memref<!tpu.dma_semaphore, #tpu.memory_space<semaphore_mem>>) src(%arg4 : memref<625x136xf32, #tpu.memory_space<hbm>>) dst(%dma_wait3A_289 : memref<625x136xf32, #tpu.memory_space<vmem_shared>>)
      tpu.yield
    }) : () -> ()
    %barrier3A = arith.constant 0 : index
    tpu.barrier barrier_id(%barrier3A)
    %scan3A = arith.constant 0 : i32
    %scan3A_24 = arith.constant 0 : i32
    %scan3A_25 = arith.constant 62 : i32
    %scan3A_26 = arith.addi %scan3A_24, %scan3A_25 : i32
    %scan3A_27 = arith.constant 1 : i32
    scf.for %scan3A_286 = %scan3A_24 to %scan3A_26 step %scan3A_27  : i32 {
      %mul3A_287 = arith.constant 4 : i32
      %mul3A_288 = arith.muli %scan3A_286, %mul3A_287 : i32
      %add3A = arith.constant 0 : i32
      %add3A_289 = arith.addi %mul3A_288, %add3A : i32
      %gt3A = arith.constant 0 : i32
      %gt3A_290 = arith.cmpi sgt, %scan3A_286, %gt3A : i32
      %convert_element_type3A_291 = arith.extui %gt3A_290 : i1 to i32
      %cond3A_292 = arith.constant 0 : i32
      %cond3A_293 = arith.cmpi ne, %convert_element_type3A_291, %cond3A_292 : i32
      scf.if %cond3A_293 {
        %dma_wait3A_760 = arith.constant 0 : i32
        %dma_wait3A_761 = arith.constant 0 : i32
        %dma_wait3A_762 = tpu.memref_slice %arg35[%dma_wait3A_760, %dma_wait3A_761] : memref<10000x136xf32, #tpu.memory_space<vmem_shared>> -> memref<10000x136xf32, #tpu.memory_space<vmem_shared>>
        tpu.wait_indirect_dma semaphore(%arg27 : memref<!tpu.dma_semaphore, #tpu.memory_space<semaphore_mem>>) src(%arg19 : memref<80x136xf32, #tpu.memory_space<vmem>>) dst(%dma_wait3A_762 : memref<10000x136xf32, #tpu.memory_space<vmem_shared>>)
      } else {
      }
      %mul3A_294 = arith.constant 80 : i32
      %mul3A_295 = arith.muli %add3A_289, %mul3A_294 : i32
      %dma_wait3A_296 = tpu.memref_slice %arg3[%arg0, %arg1, %mul3A_295] : memref<2x16x20000xi32, #tpu.memory_space<hbm>> -> memref<1x1x80xi32, #tpu.memory_space<hbm>>
      %dma_wait3A_297 = tpu.memref_squeeze %dma_wait3A_296 : memref<1x1x80xi32, #tpu.memory_space<hbm>> -> memref<80xi32, #tpu.memory_space<hbm>>
      %dma_wait3A_298 = tpu.memref_slice %arg3[%arg0, %arg1, %mul3A_295] : memref<2x16x20000xi32, #tpu.memory_space<hbm>> -> memref<1x1x80xi32, #tpu.memory_space<hbm>>
      %dma_wait3A_299 = tpu.memref_squeeze %dma_wait3A_298 : memref<1x1x80xi32, #tpu.memory_space<hbm>> -> memref<80xi32, #tpu.memory_space<hbm>>
      tpu.wait_dma2 semaphore(%arg31 : memref<!tpu.dma_semaphore, #tpu.memory_space<semaphore_mem>>) src(%dma_wait3A_299 : memref<80xi32, #tpu.memory_space<hbm>>) dst(%arg7 : memref<80xi32, #tpu.memory_space<vmem>>)
      %get3A_300 = arith.constant 0 : index
      %get3A_301 = tpu.vector_load %arg7[%get3A_300] {strides = array<i32>} : memref<80xi32, #tpu.memory_space<vmem>>, vector<16xi32>,
      %get3A_302 = vector.shape_cast %get3A_301 : vector<16xi32> to vector<16xi32>
      %and3A_303 = arith.constant 65535 : i32
      %and3A_304 = vector.broadcast %and3A_303 : i32 to vector<16xi32>
      %and3A_305 = arith.andi %get3A_302, %and3A_304 : vector<16xi32>
      %swap3A_306 = arith.constant 0 : index
      %swap3A_307 = tpu.vector_load %arg11[%swap3A_306] {strides = array<i32>} : memref<80xi32, #tpu.memory_space<vmem>>, vector<16xi32>,
      %swap3A_308 = vector.shape_cast %swap3A_307 : vector<16xi32> to vector<16xi32>
      %swap3A_309 = vector.shape_cast %and3A_305 : vector<16xi32> to vector<16xi32>
      tpu.vector_store %arg11[%swap3A_306], %swap3A_309 {strides = array<i32>} : memref<80xi32, #tpu.memory_space<vmem>>, vector<16xi32>,
      %shift_right_logical3A_310 = arith.constant 16 : i32
      %shift_right_logical3A_311 = vector.broadcast %shift_right_logical3A_310 : i32 to vector<16xi32>
      %shift_right_logical3A_312 = arith.shrui %get3A_302, %shift_right_logical3A_311 : vector<16xi32>
      %swap3A_313 = arith.constant 0 : index
      %swap3A_314 = tpu.vector_load %arg15[%swap3A_313] {strides = array<i32>} : memref<80xi32, #tpu.memory_space<vmem>>, vector<16xi32>,
      %swap3A_315 = vector.shape_cast %swap3A_314 : vector<16xi32> to vector<16xi32>
      %swap3A_316 = vector.shape_cast %shift_right_logical3A_312 : vector<16xi32> to vector<16xi32>
      tpu.vector_store %arg15[%swap3A_313], %swap3A_316 {strides = array<i32>} : memref<80xi32, #tpu.memory_space<vmem>>, vector<16xi32>,
      %get3A_317 = arith.constant 16 : index
      %get3A_318 = tpu.vector_load %arg7[%get3A_317] {strides = array<i32>} : memref<80xi32, #tpu.memory_space<vmem>>, vector<16xi32>,
      %get3A_319 = vector.shape_cast %get3A_318 : vector<16xi32> to vector<16xi32>
      %and3A_320 = arith.constant 65535 : i32
      %and3A_321 = vector.broadcast %and3A_320 : i32 to vector<16xi32>
      %and3A_322 = arith.andi %get3A_319, %and3A_321 : vector<16xi32>
      %swap3A_323 = arith.constant 16 : index
      %swap3A_324 = tpu.vector_load %arg11[%swap3A_323] {strides = array<i32>} : memref<80xi32, #tpu.memory_space<vmem>>, vector<16xi32>,
      %swap3A_325 = vector.shape_cast %swap3A_324 : vector<16xi32> to vector<16xi32>
      %swap3A_326 = vector.shape_cast %and3A_322 : vector<16xi32> to vector<16xi32>
      tpu.vector_store %arg11[%swap3A_323], %swap3A_326 {strides = array<i32>} : memref<80xi32, #tpu.memory_space<vmem>>, vector<16xi32>,
      %shift_right_logical3A_327 = arith.constant 16 : i32
      %shift_right_logical3A_328 = vector.broadcast %shift_right_logical3A_327 : i32 to vector<16xi32>
      %shift_right_logical3A_329 = arith.shrui %get3A_319, %shift_right_logical3A_328 : vector<16xi32>
      %swap3A_330 = arith.constant 16 : index
      %swap3A_331 = tpu.vector_load %arg15[%swap3A_330] {strides = array<i32>} : memref<80xi32, #tpu.memory_space<vmem>>, vector<16xi32>,
      %swap3A_332 = vector.shape_cast %swap3A_331 : vector<16xi32> to vector<16xi32>
      %swap3A_333 = vector.shape_cast %shift_right_logical3A_329 : vector<16xi32> to vector<16xi32>
      tpu.vector_store %arg15[%swap3A_330], %swap3A_333 {strides = array<i32>} : memref<80xi32, #tpu.memory_space<vmem>>, vector<16xi32>,
      %get3A_334 = arith.constant 32 : index
      %get3A_335 = tpu.vector_load %arg7[%get3A_334] {strides = array<i32>} : memref<80xi32, #tpu.memory_space<vmem>>, vector<16xi32>,
      %get3A_336 = vector.shape_cast %get3A_335 : vector<16xi32> to vector<16xi32>
      %and3A_337 = arith.constant 65535 : i32
      %and3A_338 = vector.broadcast %and3A_337 : i32 to vector<16xi32>
      %and3A_339 = arith.andi %get3A_336, %and3A_338 : vector<16xi32>
      %swap3A_340 = arith.constant 32 : index
      %swap3A_341 = tpu.vector_load %arg11[%swap3A_340] {strides = array<i32>} : memref<80xi32, #tpu.memory_space<vmem>>, vector<16xi32>,
      %swap3A_342 = vector.shape_cast %swap3A_341 : vector<16xi32> to vector<16xi32>
      %swap3A_343 = vector.shape_cast %and3A_339 : vector<16xi32> to vector<16xi32>
      tpu.vector_store %arg11[%swap3A_340], %swap3A_343 {strides = array<i32>} : memref<80xi32, #tpu.memory_space<vmem>>, vector<16xi32>,
      %shift_right_logical3A_344 = arith.constant 16 : i32
      %shift_right_logical3A_345 = vector.broadcast %shift_right_logical3A_344 : i32 to vector<16xi32>
      %shift_right_logical3A_346 = arith.shrui %get3A_336, %shift_right_logical3A_345 : vector<16xi32>
      %swap3A_347 = arith.constant 32 : index
      %swap3A_348 = tpu.vector_load %arg15[%swap3A_347] {strides = array<i32>} : memref<80xi32, #tpu.memory_space<vmem>>, vector<16xi32>,
      %swap3A_349 = vector.shape_cast %swap3A_348 : vector<16xi32> to vector<16xi32>
      %swap3A_350 = vector.shape_cast %shift_right_logical3A_346 : vector<16xi32> to vector<16xi32>
      tpu.vector_store %arg15[%swap3A_347], %swap3A_350 {strides = array<i32>} : memref<80xi32, #tpu.memory_space<vmem>>, vector<16xi32>,
      %get3A_351 = arith.constant 48 : index
      %get3A_352 = tpu.vector_load %arg7[%get3A_351] {strides = array<i32>} : memref<80xi32, #tpu.memory_space<vmem>>, vector<16xi32>,
      %get3A_353 = vector.shape_cast %get3A_352 : vector<16xi32> to vector<16xi32>
      %and3A_354 = arith.constant 65535 : i32
      %and3A_355 = vector.broadcast %and3A_354 : i32 to vector<16xi32>
      %and3A_356 = arith.andi %get3A_353, %and3A_355 : vector<16xi32>
      %swap3A_357 = arith.constant 48 : index
      %swap3A_358 = tpu.vector_load %arg11[%swap3A_357] {strides = array<i32>} : memref<80xi32, #tpu.memory_space<vmem>>, vector<16xi32>,
      %swap3A_359 = vector.shape_cast %swap3A_358 : vector<16xi32> to vector<16xi32>
      %swap3A_360 = vector.shape_cast %and3A_356 : vector<16xi32> to vector<16xi32>
      tpu.vector_store %arg11[%swap3A_357], %swap3A_360 {strides = array<i32>} : memref<80xi32, #tpu.memory_space<vmem>>, vector<16xi32>,
      %shift_right_logical3A_361 = arith.constant 16 : i32
      %shift_right_logical3A_362 = vector.broadcast %shift_right_logical3A_361 : i32 to vector<16xi32>
      %shift_right_logical3A_363 = arith.shrui %get3A_353, %shift_right_logical3A_362 : vector<16xi32>
      %swap3A_364 = arith.constant 48 : index
      %swap3A_365 = tpu.vector_load %arg15[%swap3A_364] {strides = array<i32>} : memref<80xi32, #tpu.memory_space<vmem>>, vector<16xi32>,
      %swap3A_366 = vector.shape_cast %swap3A_365 : vector<16xi32> to vector<16xi32>
      %swap3A_367 = vector.shape_cast %shift_right_logical3A_363 : vector<16xi32> to vector<16xi32>
      tpu.vector_store %arg15[%swap3A_364], %swap3A_367 {strides = array<i32>} : memref<80xi32, #tpu.memory_space<vmem>>, vector<16xi32>,
      %get3A_368 = arith.constant 64 : index
      %get3A_369 = tpu.vector_load %arg7[%get3A_368] {strides = array<i32>} : memref<80xi32, #tpu.memory_space<vmem>>, vector<16xi32>,
      %get3A_370 = vector.shape_cast %get3A_369 : vector<16xi32> to vector<16xi32>
      %and3A_371 = arith.constant 65535 : i32
      %and3A_372 = vector.broadcast %and3A_371 : i32 to vector<16xi32>
      %and3A_373 = arith.andi %get3A_370, %and3A_372 : vector<16xi32>
      %swap3A_374 = arith.constant 64 : index
      %swap3A_375 = tpu.vector_load %arg11[%swap3A_374] {strides = array<i32>} : memref<80xi32, #tpu.memory_space<vmem>>, vector<16xi32>,
      %swap3A_376 = vector.shape_cast %swap3A_375 : vector<16xi32> to vector<16xi32>
      %swap3A_377 = vector.shape_cast %and3A_373 : vector<16xi32> to vector<16xi32>
      tpu.vector_store %arg11[%swap3A_374], %swap3A_377 {strides = array<i32>} : memref<80xi32, #tpu.memory_space<vmem>>, vector<16xi32>,
      %shift_right_logical3A_378 = arith.constant 16 : i32
      %shift_right_logical3A_379 = vector.broadcast %shift_right_logical3A_378 : i32 to vector<16xi32>
      %shift_right_logical3A_380 = arith.shrui %get3A_370, %shift_right_logical3A_379 : vector<16xi32>
      %swap3A_381 = arith.constant 64 : index
      %swap3A_382 = tpu.vector_load %arg15[%swap3A_381] {strides = array<i32>} : memref<80xi32, #tpu.memory_space<vmem>>, vector<16xi32>,
      %swap3A_383 = vector.shape_cast %swap3A_382 : vector<16xi32> to vector<16xi32>
      %swap3A_384 = vector.shape_cast %shift_right_logical3A_380 : vector<16xi32> to vector<16xi32>
      tpu.vector_store %arg15[%swap3A_381], %swap3A_384 {strides = array<i32>} : memref<80xi32, #tpu.memory_space<vmem>>, vector<16xi32>,
      %add3A_385 = arith.constant 4 : i32
      %add3A_386 = arith.addi %add3A_289, %add3A_385 : i32
      %min3A = arith.constant 249 : i32
      %min3A_387 = arith.minsi %add3A_386, %min3A : i32
      %mul3A_388 = arith.constant 80 : i32
      %mul3A_389 = arith.muli %min3A_387, %mul3A_388 : i32
      %dma_start3A_390 = tpu.memref_slice %arg3[%arg0, %arg1, %mul3A_389] : memref<2x16x20000xi32, #tpu.memory_space<hbm>> -> memref<1x1x80xi32, #tpu.memory_space<hbm>>
      %dma_start3A_391 = tpu.memref_squeeze %dma_start3A_390 : memref<1x1x80xi32, #tpu.memory_space<hbm>> -> memref<80xi32, #tpu.memory_space<hbm>>
      %dma_start3A_392 = tpu.memref_slice %arg3[%arg0, %arg1, %mul3A_389] : memref<2x16x20000xi32, #tpu.memory_space<hbm>> -> memref<1x1x80xi32, #tpu.memory_space<hbm>>
      %dma_start3A_393 = tpu.memref_squeeze %dma_start3A_392 : memref<1x1x80xi32, #tpu.memory_space<hbm>> -> memref<80xi32, #tpu.memory_space<hbm>>
      tpu.enqueue_dma source(%dma_start3A_393 : memref<80xi32, #tpu.memory_space<hbm>>) target(%arg7 : memref<80xi32, #tpu.memory_space<vmem>>) target_semaphore(%arg31 : memref<!tpu.dma_semaphore, #tpu.memory_space<semaphore_mem>>)
      %dma_start3A_394 = arith.constant 0 : i32
      %dma_start3A_395 = arith.constant 0 : i32
      %dma_start3A_396 = tpu.memref_slice %arg2[%dma_start3A_394, %dma_start3A_395] : memref<10000x136xf32, #tpu.memory_space<hbm>> -> memref<10000x136xf32, #tpu.memory_space<hbm>>
      tpu.enqueue_indirect_dma source(%dma_start3A_396 : memref<10000x136xf32, #tpu.memory_space<hbm>>) target(%arg19 : memref<80x136xf32, #tpu.memory_space<vmem>>) offsets(%arg11 : memref<80xi32, #tpu.memory_space<vmem>>) semaphore(%arg23 : memref<!tpu.dma_semaphore, #tpu.memory_space<semaphore_mem>>)
      %mul3A_397 = arith.constant 4 : i32
      %mul3A_398 = arith.muli %scan3A_286, %mul3A_397 : i32
      %add3A_399 = arith.constant 1 : i32
      %add3A_400 = arith.addi %mul3A_398, %add3A_399 : i32
      %gt3A_401 = arith.constant 0 : i32
      %gt3A_402 = arith.cmpi sgt, %scan3A_286, %gt3A_401 : i32
      %convert_element_type3A_403 = arith.extui %gt3A_402 : i1 to i32
      %cond3A_404 = arith.constant 0 : i32
      %cond3A_405 = arith.cmpi ne, %convert_element_type3A_403, %cond3A_404 : i32
      scf.if %cond3A_405 {
        %dma_wait3A_760 = arith.constant 0 : i32
        %dma_wait3A_761 = arith.constant 0 : i32
        %dma_wait3A_762 = tpu.memref_slice %arg35[%dma_wait3A_760, %dma_wait3A_761] : memref<10000x136xf32, #tpu.memory_space<vmem_shared>> -> memref<10000x136xf32, #tpu.memory_space<vmem_shared>>
        tpu.wait_indirect_dma semaphore(%arg28 : memref<!tpu.dma_semaphore, #tpu.memory_space<semaphore_mem>>) src(%arg20 : memref<80x136xf32, #tpu.memory_space<vmem>>) dst(%dma_wait3A_762 : memref<10000x136xf32, #tpu.memory_space<vmem_shared>>)
      } else {
      }
      %mul3A_406 = arith.constant 80 : i32
      %mul3A_407 = arith.muli %add3A_400, %mul3A_406 : i32
      %dma_wait3A_408 = tpu.memref_slice %arg3[%arg0, %arg1, %mul3A_407] : memref<2x16x20000xi32, #tpu.memory_space<hbm>> -> memref<1x1x80xi32, #tpu.memory_space<hbm>>
      %dma_wait3A_409 = tpu.memref_squeeze %dma_wait3A_408 : memref<1x1x80xi32, #tpu.memory_space<hbm>> -> memref<80xi32, #tpu.memory_space<hbm>>
      %dma_wait3A_410 = tpu.memref_slice %arg3[%arg0, %arg1, %mul3A_407] : memref<2x16x20000xi32, #tpu.memory_space<hbm>> -> memref<1x1x80xi32, #tpu.memory_space<hbm>>
      %dma_wait3A_411 = tpu.memref_squeeze %dma_wait3A_410 : memref<1x1x80xi32, #tpu.memory_space<hbm>> -> memref<80xi32, #tpu.memory_space<hbm>>
      tpu.wait_dma2 semaphore(%arg32 : memref<!tpu.dma_semaphore, #tpu.memory_space<semaphore_mem>>) src(%dma_wait3A_411 : memref<80xi32, #tpu.memory_space<hbm>>) dst(%arg8 : memref<80xi32, #tpu.memory_space<vmem>>)
      %get3A_412 = arith.constant 0 : index
      %get3A_413 = tpu.vector_load %arg8[%get3A_412] {strides = array<i32>} : memref<80xi32, #tpu.memory_space<vmem>>, vector<16xi32>,
      %get3A_414 = vector.shape_cast %get3A_413 : vector<16xi32> to vector<16xi32>
      %and3A_415 = arith.constant 65535 : i32
      %and3A_416 = vector.broadcast %and3A_415 : i32 to vector<16xi32>
      %and3A_417 = arith.andi %get3A_414, %and3A_416 : vector<16xi32>
      %swap3A_418 = arith.constant 0 : index
      %swap3A_419 = tpu.vector_load %arg12[%swap3A_418] {strides = array<i32>} : memref<80xi32, #tpu.memory_space<vmem>>, vector<16xi32>,
      %swap3A_420 = vector.shape_cast %swap3A_419 : vector<16xi32> to vector<16xi32>
      %swap3A_421 = vector.shape_cast %and3A_417 : vector<16xi32> to vector<16xi32>
      tpu.vector_store %arg12[%swap3A_418], %swap3A_421 {strides = array<i32>} : memref<80xi32, #tpu.memory_space<vmem>>, vector<16xi32>,
      %shift_right_logical3A_422 = arith.constant 16 : i32
      %shift_right_logical3A_423 = vector.broadcast %shift_right_logical3A_422 : i32 to vector<16xi32>
      %shift_right_logical3A_424 = arith.shrui %get3A_414, %shift_right_logical3A_423 : vector<16xi32>
      %swap3A_425 = arith.constant 0 : index
      %swap3A_426 = tpu.vector_load %arg16[%swap3A_425] {strides = array<i32>} : memref<80xi32, #tpu.memory_space<vmem>>, vector<16xi32>,
      %swap3A_427 = vector.shape_cast %swap3A_426 : vector<16xi32> to vector<16xi32>
      %swap3A_428 = vector.shape_cast %shift_right_logical3A_424 : vector<16xi32> to vector<16xi32>
      tpu.vector_store %arg16[%swap3A_425], %swap3A_428 {strides = array<i32>} : memref<80xi32, #tpu.memory_space<vmem>>, vector<16xi32>,
      %get3A_429 = arith.constant 16 : index
      %get3A_430 = tpu.vector_load %arg8[%get3A_429] {strides = array<i32>} : memref<80xi32, #tpu.memory_space<vmem>>, vector<16xi32>,
      %get3A_431 = vector.shape_cast %get3A_430 : vector<16xi32> to vector<16xi32>
      %and3A_432 = arith.constant 65535 : i32
      %and3A_433 = vector.broadcast %and3A_432 : i32 to vector<16xi32>
      %and3A_434 = arith.andi %get3A_431, %and3A_433 : vector<16xi32>
      %swap3A_435 = arith.constant 16 : index
      %swap3A_436 = tpu.vector_load %arg12[%swap3A_435] {strides = array<i32>} : memref<80xi32, #tpu.memory_space<vmem>>, vector<16xi32>,
      %swap3A_437 = vector.shape_cast %swap3A_436 : vector<16xi32> to vector<16xi32>
      %swap3A_438 = vector.shape_cast %and3A_434 : vector<16xi32> to vector<16xi32>
      tpu.vector_store %arg12[%swap3A_435], %swap3A_438 {strides = array<i32>} : memref<80xi32, #tpu.memory_space<vmem>>, vector<16xi32>,
      %shift_right_logical3A_439 = arith.constant 16 : i32
      %shift_right_logical3A_440 = vector.broadcast %shift_right_logical3A_439 : i32 to vector<16xi32>
      %shift_right_logical3A_441 = arith.shrui %get3A_431, %shift_right_logical3A_440 : vector<16xi32>
      %swap3A_442 = arith.constant 16 : index
      %swap3A_443 = tpu.vector_load %arg16[%swap3A_442] {strides = array<i32>} : memref<80xi32, #tpu.memory_space<vmem>>, vector<16xi32>,
      %swap3A_444 = vector.shape_cast %swap3A_443 : vector<16xi32> to vector<16xi32>
      %swap3A_445 = vector.shape_cast %shift_right_logical3A_441 : vector<16xi32> to vector<16xi32>
      tpu.vector_store %arg16[%swap3A_442], %swap3A_445 {strides = array<i32>} : memref<80xi32, #tpu.memory_space<vmem>>, vector<16xi32>,
      %get3A_446 = arith.constant 32 : index
      %get3A_447 = tpu.vector_load %arg8[%get3A_446] {strides = array<i32>} : memref<80xi32, #tpu.memory_space<vmem>>, vector<16xi32>,
      %get3A_448 = vector.shape_cast %get3A_447 : vector<16xi32> to vector<16xi32>
      %and3A_449 = arith.constant 65535 : i32
      %and3A_450 = vector.broadcast %and3A_449 : i32 to vector<16xi32>
      %and3A_451 = arith.andi %get3A_448, %and3A_450 : vector<16xi32>
      %swap3A_452 = arith.constant 32 : index
      %swap3A_453 = tpu.vector_load %arg12[%swap3A_452] {strides = array<i32>} : memref<80xi32, #tpu.memory_space<vmem>>, vector<16xi32>,
      %swap3A_454 = vector.shape_cast %swap3A_453 : vector<16xi32> to vector<16xi32>
      %swap3A_455 = vector.shape_cast %and3A_451 : vector<16xi32> to vector<16xi32>
      tpu.vector_store %arg12[%swap3A_452], %swap3A_455 {strides = array<i32>} : memref<80xi32, #tpu.memory_space<vmem>>, vector<16xi32>,
      %shift_right_logical3A_456 = arith.constant 16 : i32
      %shift_right_logical3A_457 = vector.broadcast %shift_right_logical3A_456 : i32 to vector<16xi32>
      %shift_right_logical3A_458 = arith.shrui %get3A_448, %shift_right_logical3A_457 : vector<16xi32>
      %swap3A_459 = arith.constant 32 : index
      %swap3A_460 = tpu.vector_load %arg16[%swap3A_459] {strides = array<i32>} : memref<80xi32, #tpu.memory_space<vmem>>, vector<16xi32>,
      %swap3A_461 = vector.shape_cast %swap3A_460 : vector<16xi32> to vector<16xi32>
      %swap3A_462 = vector.shape_cast %shift_right_logical3A_458 : vector<16xi32> to vector<16xi32>
      tpu.vector_store %arg16[%swap3A_459], %swap3A_462 {strides = array<i32>} : memref<80xi32, #tpu.memory_space<vmem>>, vector<16xi32>,
      %get3A_463 = arith.constant 48 : index
      %get3A_464 = tpu.vector_load %arg8[%get3A_463] {strides = array<i32>} : memref<80xi32, #tpu.memory_space<vmem>>, vector<16xi32>,
      %get3A_465 = vector.shape_cast %get3A_464 : vector<16xi32> to vector<16xi32>
      %and3A_466 = arith.constant 65535 : i32
      %and3A_467 = vector.broadcast %and3A_466 : i32 to vector<16xi32>
      %and3A_468 = arith.andi %get3A_465, %and3A_467 : vector<16xi32>
      %swap3A_469 = arith.constant 48 : index
      %swap3A_470 = tpu.vector_load %arg12[%swap3A_469] {strides = array<i32>} : memref<80xi32, #tpu.memory_space<vmem>>, vector<16xi32>,
      %swap3A_471 = vector.shape_cast %swap3A_470 : vector<16xi32> to vector<16xi32>
      %swap3A_472 = vector.shape_cast %and3A_468 : vector<16xi32> to vector<16xi32>
      tpu.vector_store %arg12[%swap3A_469], %swap3A_472 {strides = array<i32>} : memref<80xi32, #tpu.memory_space<vmem>>, vector<16xi32>,
      %shift_right_logical3A_473 = arith.constant 16 : i32
      %shift_right_logical3A_474 = vector.broadcast %shift_right_logical3A_473 : i32 to vector<16xi32>
      %shift_right_logical3A_475 = arith.shrui %get3A_465, %shift_right_logical3A_474 : vector<16xi32>
      %swap3A_476 = arith.constant 48 : index
      %swap3A_477 = tpu.vector_load %arg16[%swap3A_476] {strides = array<i32>} : memref<80xi32, #tpu.memory_space<vmem>>, vector<16xi32>,
      %swap3A_478 = vector.shape_cast %swap3A_477 : vector<16xi32> to vector<16xi32>
      %swap3A_479 = vector.shape_cast %shift_right_logical3A_475 : vector<16xi32> to vector<16xi32>
      tpu.vector_store %arg16[%swap3A_476], %swap3A_479 {strides = array<i32>} : memref<80xi32, #tpu.memory_space<vmem>>, vector<16xi32>,
      %get3A_480 = arith.constant 64 : index
      %get3A_481 = tpu.vector_load %arg8[%get3A_480] {strides = array<i32>} : memref<80xi32, #tpu.memory_space<vmem>>, vector<16xi32>,
      %get3A_482 = vector.shape_cast %get3A_481 : vector<16xi32> to vector<16xi32>
      %and3A_483 = arith.constant 65535 : i32
      %and3A_484 = vector.broadcast %and3A_483 : i32 to vector<16xi32>
      %and3A_485 = arith.andi %get3A_482, %and3A_484 : vector<16xi32>
      %swap3A_486 = arith.constant 64 : index
      %swap3A_487 = tpu.vector_load %arg12[%swap3A_486] {strides = array<i32>} : memref<80xi32, #tpu.memory_space<vmem>>, vector<16xi32>,
      %swap3A_488 = vector.shape_cast %swap3A_487 : vector<16xi32> to vector<16xi32>
      %swap3A_489 = vector.shape_cast %and3A_485 : vector<16xi32> to vector<16xi32>
      tpu.vector_store %arg12[%swap3A_486], %swap3A_489 {strides = array<i32>} : memref<80xi32, #tpu.memory_space<vmem>>, vector<16xi32>,
      %shift_right_logical3A_490 = arith.constant 16 : i32
      %shift_right_logical3A_491 = vector.broadcast %shift_right_logical3A_490 : i32 to vector<16xi32>
      %shift_right_logical3A_492 = arith.shrui %get3A_482, %shift_right_logical3A_491 : vector<16xi32>
      %swap3A_493 = arith.constant 64 : index
      %swap3A_494 = tpu.vector_load %arg16[%swap3A_493] {strides = array<i32>} : memref<80xi32, #tpu.memory_space<vmem>>, vector<16xi32>,
      %swap3A_495 = vector.shape_cast %swap3A_494 : vector<16xi32> to vector<16xi32>
      %swap3A_496 = vector.shape_cast %shift_right_logical3A_492 : vector<16xi32> to vector<16xi32>
      tpu.vector_store %arg16[%swap3A_493], %swap3A_496 {strides = array<i32>} : memref<80xi32, #tpu.memory_space<vmem>>, vector<16xi32>,
      %add3A_497 = arith.constant 4 : i32
      %add3A_498 = arith.addi %add3A_400, %add3A_497 : i32
      %min3A_499 = arith.constant 249 : i32
      %min3A_500 = arith.minsi %add3A_498, %min3A_499 : i32
      %mul3A_501 = arith.constant 80 : i32
      %mul3A_502 = arith.muli %min3A_500, %mul3A_501 : i32
      %dma_start3A_503 = tpu.memref_slice %arg3[%arg0, %arg1, %mul3A_502] : memref<2x16x20000xi32, #tpu.memory_space<hbm>> -> memref<1x1x80xi32, #tpu.memory_space<hbm>>
      %dma_start3A_504 = tpu.memref_squeeze %dma_start3A_503 : memref<1x1x80xi32, #tpu.memory_space<hbm>> -> memref<80xi32, #tpu.memory_space<hbm>>
      %dma_start3A_505 = tpu.memref_slice %arg3[%arg0, %arg1, %mul3A_502] : memref<2x16x20000xi32, #tpu.memory_space<hbm>> -> memref<1x1x80xi32, #tpu.memory_space<hbm>>
      %dma_start3A_506 = tpu.memref_squeeze %dma_start3A_505 : memref<1x1x80xi32, #tpu.memory_space<hbm>> -> memref<80xi32, #tpu.memory_space<hbm>>
      tpu.enqueue_dma source(%dma_start3A_506 : memref<80xi32, #tpu.memory_space<hbm>>) target(%arg8 : memref<80xi32, #tpu.memory_space<vmem>>) target_semaphore(%arg32 : memref<!tpu.dma_semaphore, #tpu.memory_space<semaphore_mem>>)
      %dma_start3A_507 = arith.constant 0 : i32
      %dma_start3A_508 = arith.constant 0 : i32
      %dma_start3A_509 = tpu.memref_slice %arg2[%dma_start3A_507, %dma_start3A_508] : memref<10000x136xf32, #tpu.memory_space<hbm>> -> memref<10000x136xf32, #tpu.memory_space<hbm>>
      tpu.enqueue_indirect_dma source(%dma_start3A_509 : memref<10000x136xf32, #tpu.memory_space<hbm>>) target(%arg20 : memref<80x136xf32, #tpu.memory_space<vmem>>) offsets(%arg12 : memref<80xi32, #tpu.memory_space<vmem>>) semaphore(%arg24 : memref<!tpu.dma_semaphore, #tpu.memory_space<semaphore_mem>>)
      %mul3A_510 = arith.constant 4 : i32
      %mul3A_511 = arith.muli %scan3A_286, %mul3A_510 : i32
      %add3A_512 = arith.constant 2 : i32
      %add3A_513 = arith.addi %mul3A_511, %add3A_512 : i32
      %gt3A_514 = arith.constant 0 : i32
      %gt3A_515 = arith.cmpi sgt, %scan3A_286, %gt3A_514 : i32
      %convert_element_type3A_516 = arith.extui %gt3A_515 : i1 to i32
      %cond3A_517 = arith.constant 0 : i32
      %cond3A_518 = arith.cmpi ne, %convert_element_type3A_516, %cond3A_517 : i32
      scf.if %cond3A_518 {
        %dma_wait3A_760 = arith.constant 0 : i32
        %dma_wait3A_761 = arith.constant 0 : i32
        %dma_wait3A_762 = tpu.memref_slice %arg35[%dma_wait3A_760, %dma_wait3A_761] : memref<10000x136xf32, #tpu.memory_space<vmem_shared>> -> memref<10000x136xf32, #tpu.memory_space<vmem_shared>>
        tpu.wait_indirect_dma semaphore(%arg29 : memref<!tpu.dma_semaphore, #tpu.memory_space<semaphore_mem>>) src(%arg21 : memref<80x136xf32, #tpu.memory_space<vmem>>) dst(%dma_wait3A_762 : memref<10000x136xf32, #tpu.memory_space<vmem_shared>>)
      } else {
      }
      %mul3A_519 = arith.constant 80 : i32
      %mul3A_520 = arith.muli %add3A_513, %mul3A_519 : i32
      %dma_wait3A_521 = tpu.memref_slice %arg3[%arg0, %arg1, %mul3A_520] : memref<2x16x20000xi32, #tpu.memory_space<hbm>> -> memref<1x1x80xi32, #tpu.memory_space<hbm>>
      %dma_wait3A_522 = tpu.memref_squeeze %dma_wait3A_521 : memref<1x1x80xi32, #tpu.memory_space<hbm>> -> memref<80xi32, #tpu.memory_space<hbm>>
      %dma_wait3A_523 = tpu.memref_slice %arg3[%arg0, %arg1, %mul3A_520] : memref<2x16x20000xi32, #tpu.memory_space<hbm>> -> memref<1x1x80xi32, #tpu.memory_space<hbm>>
      %dma_wait3A_524 = tpu.memref_squeeze %dma_wait3A_523 : memref<1x1x80xi32, #tpu.memory_space<hbm>> -> memref<80xi32, #tpu.memory_space<hbm>>
      tpu.wait_dma2 semaphore(%arg33 : memref<!tpu.dma_semaphore, #tpu.memory_space<semaphore_mem>>) src(%dma_wait3A_524 : memref<80xi32, #tpu.memory_space<hbm>>) dst(%arg9 : memref<80xi32, #tpu.memory_space<vmem>>)
      %get3A_525 = arith.constant 0 : index
      %get3A_526 = tpu.vector_load %arg9[%get3A_525] {strides = array<i32>} : memref<80xi32, #tpu.memory_space<vmem>>, vector<16xi32>,
      %get3A_527 = vector.shape_cast %get3A_526 : vector<16xi32> to vector<16xi32>
      %and3A_528 = arith.constant 65535 : i32
      %and3A_529 = vector.broadcast %and3A_528 : i32 to vector<16xi32>
      %and3A_530 = arith.andi %get3A_527, %and3A_529 : vector<16xi32>
      %swap3A_531 = arith.constant 0 : index
      %swap3A_532 = tpu.vector_load %arg13[%swap3A_531] {strides = array<i32>} : memref<80xi32, #tpu.memory_space<vmem>>, vector<16xi32>,
      %swap3A_533 = vector.shape_cast %swap3A_532 : vector<16xi32> to vector<16xi32>
      %swap3A_534 = vector.shape_cast %and3A_530 : vector<16xi32> to vector<16xi32>
      tpu.vector_store %arg13[%swap3A_531], %swap3A_534 {strides = array<i32>} : memref<80xi32, #tpu.memory_space<vmem>>, vector<16xi32>,
      %shift_right_logical3A_535 = arith.constant 16 : i32
      %shift_right_logical3A_536 = vector.broadcast %shift_right_logical3A_535 : i32 to vector<16xi32>
      %shift_right_logical3A_537 = arith.shrui %get3A_527, %shift_right_logical3A_536 : vector<16xi32>
      %swap3A_538 = arith.constant 0 : index
      %swap3A_539 = tpu.vector_load %arg17[%swap3A_538] {strides = array<i32>} : memref<80xi32, #tpu.memory_space<vmem>>, vector<16xi32>,
      %swap3A_540 = vector.shape_cast %swap3A_539 : vector<16xi32> to vector<16xi32>
      %swap3A_541 = vector.shape_cast %shift_right_logical3A_537 : vector<16xi32> to vector<16xi32>
      tpu.vector_store %arg17[%swap3A_538], %swap3A_541 {strides = array<i32>} : memref<80xi32, #tpu.memory_space<vmem>>, vector<16xi32>,
      %get3A_542 = arith.constant 16 : index
      %get3A_543 = tpu.vector_load %arg9[%get3A_542] {strides = array<i32>} : memref<80xi32, #tpu.memory_space<vmem>>, vector<16xi32>,
      %get3A_544 = vector.shape_cast %get3A_543 : vector<16xi32> to vector<16xi32>
      %and3A_545 = arith.constant 65535 : i32
      %and3A_546 = vector.broadcast %and3A_545 : i32 to vector<16xi32>
      %and3A_547 = arith.andi %get3A_544, %and3A_546 : vector<16xi32>
      %swap3A_548 = arith.constant 16 : index
      %swap3A_549 = tpu.vector_load %arg13[%swap3A_548] {strides = array<i32>} : memref<80xi32, #tpu.memory_space<vmem>>, vector<16xi32>,
      %swap3A_550 = vector.shape_cast %swap3A_549 : vector<16xi32> to vector<16xi32>
      %swap3A_551 = vector.shape_cast %and3A_547 : vector<16xi32> to vector<16xi32>
      tpu.vector_store %arg13[%swap3A_548], %swap3A_551 {strides = array<i32>} : memref<80xi32, #tpu.memory_space<vmem>>, vector<16xi32>,
      %shift_right_logical3A_552 = arith.constant 16 : i32
      %shift_right_logical3A_553 = vector.broadcast %shift_right_logical3A_552 : i32 to vector<16xi32>
      %shift_right_logical3A_554 = arith.shrui %get3A_544, %shift_right_logical3A_553 : vector<16xi32>
      %swap3A_555 = arith.constant 16 : index
      %swap3A_556 = tpu.vector_load %arg17[%swap3A_555] {strides = array<i32>} : memref<80xi32, #tpu.memory_space<vmem>>, vector<16xi32>,
      %swap3A_557 = vector.shape_cast %swap3A_556 : vector<16xi32> to vector<16xi32>
      %swap3A_558 = vector.shape_cast %shift_right_logical3A_554 : vector<16xi32> to vector<16xi32>
      tpu.vector_store %arg17[%swap3A_555], %swap3A_558 {strides = array<i32>} : memref<80xi32, #tpu.memory_space<vmem>>, vector<16xi32>,
      %get3A_559 = arith.constant 32 : index
      %get3A_560 = tpu.vector_load %arg9[%get3A_559] {strides = array<i32>} : memref<80xi32, #tpu.memory_space<vmem>>, vector<16xi32>,
      %get3A_561 = vector.shape_cast %get3A_560 : vector<16xi32> to vector<16xi32>
      %and3A_562 = arith.constant 65535 : i32
      %and3A_563 = vector.broadcast %and3A_562 : i32 to vector<16xi32>
      %and3A_564 = arith.andi %get3A_561, %and3A_563 : vector<16xi32>
      %swap3A_565 = arith.constant 32 : index
      %swap3A_566 = tpu.vector_load %arg13[%swap3A_565] {strides = array<i32>} : memref<80xi32, #tpu.memory_space<vmem>>, vector<16xi32>,
      %swap3A_567 = vector.shape_cast %swap3A_566 : vector<16xi32> to vector<16xi32>
      %swap3A_568 = vector.shape_cast %and3A_564 : vector<16xi32> to vector<16xi32>
      tpu.vector_store %arg13[%swap3A_565], %swap3A_568 {strides = array<i32>} : memref<80xi32, #tpu.memory_space<vmem>>, vector<16xi32>,
      %shift_right_logical3A_569 = arith.constant 16 : i32
      %shift_right_logical3A_570 = vector.broadcast %shift_right_logical3A_569 : i32 to vector<16xi32>
      %shift_right_logical3A_571 = arith.shrui %get3A_561, %shift_right_logical3A_570 : vector<16xi32>
      %swap3A_572 = arith.constant 32 : index
      %swap3A_573 = tpu.vector_load %arg17[%swap3A_572] {strides = array<i32>} : memref<80xi32, #tpu.memory_space<vmem>>, vector<16xi32>,
      %swap3A_574 = vector.shape_cast %swap3A_573 : vector<16xi32> to vector<16xi32>
      %swap3A_575 = vector.shape_cast %shift_right_logical3A_571 : vector<16xi32> to vector<16xi32>
      tpu.vector_store %arg17[%swap3A_572], %swap3A_575 {strides = array<i32>} : memref<80xi32, #tpu.memory_space<vmem>>, vector<16xi32>,
      %get3A_576 = arith.constant 48 : index
      %get3A_577 = tpu.vector_load %arg9[%get3A_576] {strides = array<i32>} : memref<80xi32, #tpu.memory_space<vmem>>, vector<16xi32>,
      %get3A_578 = vector.shape_cast %get3A_577 : vector<16xi32> to vector<16xi32>
      %and3A_579 = arith.constant 65535 : i32
      %and3A_580 = vector.broadcast %and3A_579 : i32 to vector<16xi32>
      %and3A_581 = arith.andi %get3A_578, %and3A_580 : vector<16xi32>
      %swap3A_582 = arith.constant 48 : index
      %swap3A_583 = tpu.vector_load %arg13[%swap3A_582] {strides = array<i32>} : memref<80xi32, #tpu.memory_space<vmem>>, vector<16xi32>,
      %swap3A_584 = vector.shape_cast %swap3A_583 : vector<16xi32> to vector<16xi32>
      %swap3A_585 = vector.shape_cast %and3A_581 : vector<16xi32> to vector<16xi32>
      tpu.vector_store %arg13[%swap3A_582], %swap3A_585 {strides = array<i32>} : memref<80xi32, #tpu.memory_space<vmem>>, vector<16xi32>,
      %shift_right_logical3A_586 = arith.constant 16 : i32
      %shift_right_logical3A_587 = vector.broadcast %shift_right_logical3A_586 : i32 to vector<16xi32>
      %shift_right_logical3A_588 = arith.shrui %get3A_578, %shift_right_logical3A_587 : vector<16xi32>
      %swap3A_589 = arith.constant 48 : index
      %swap3A_590 = tpu.vector_load %arg17[%swap3A_589] {strides = array<i32>} : memref<80xi32, #tpu.memory_space<vmem>>, vector<16xi32>,
      %swap3A_591 = vector.shape_cast %swap3A_590 : vector<16xi32> to vector<16xi32>
      %swap3A_592 = vector.shape_cast %shift_right_logical3A_588 : vector<16xi32> to vector<16xi32>
      tpu.vector_store %arg17[%swap3A_589], %swap3A_592 {strides = array<i32>} : memref<80xi32, #tpu.memory_space<vmem>>, vector<16xi32>,
      %get3A_593 = arith.constant 64 : index
      %get3A_594 = tpu.vector_load %arg9[%get3A_593] {strides = array<i32>} : memref<80xi32, #tpu.memory_space<vmem>>, vector<16xi32>,
      %get3A_595 = vector.shape_cast %get3A_594 : vector<16xi32> to vector<16xi32>
      %and3A_596 = arith.constant 65535 : i32
      %and3A_597 = vector.broadcast %and3A_596 : i32 to vector<16xi32>
      %and3A_598 = arith.andi %get3A_595, %and3A_597 : vector<16xi32>
      %swap3A_599 = arith.constant 64 : index
      %swap3A_600 = tpu.vector_load %arg13[%swap3A_599] {strides = array<i32>} : memref<80xi32, #tpu.memory_space<vmem>>, vector<16xi32>,
      %swap3A_601 = vector.shape_cast %swap3A_600 : vector<16xi32> to vector<16xi32>
      %swap3A_602 = vector.shape_cast %and3A_598 : vector<16xi32> to vector<16xi32>
      tpu.vector_store %arg13[%swap3A_599], %swap3A_602 {strides = array<i32>} : memref<80xi32, #tpu.memory_space<vmem>>, vector<16xi32>,
      %shift_right_logical3A_603 = arith.constant 16 : i32
      %shift_right_logical3A_604 = vector.broadcast %shift_right_logical3A_603 : i32 to vector<16xi32>
      %shift_right_logical3A_605 = arith.shrui %get3A_595, %shift_right_logical3A_604 : vector<16xi32>
      %swap3A_606 = arith.constant 64 : index
      %swap3A_607 = tpu.vector_load %arg17[%swap3A_606] {strides = array<i32>} : memref<80xi32, #tpu.memory_space<vmem>>, vector<16xi32>,
      %swap3A_608 = vector.shape_cast %swap3A_607 : vector<16xi32> to vector<16xi32>
      %swap3A_609 = vector.shape_cast %shift_right_logical3A_605 : vector<16xi32> to vector<16xi32>
      tpu.vector_store %arg17[%swap3A_606], %swap3A_609 {strides = array<i32>} : memref<80xi32, #tpu.memory_space<vmem>>, vector<16xi32>,
      %add3A_610 = arith.constant 4 : i32
      %add3A_611 = arith.addi %add3A_513, %add3A_610 : i32
      %min3A_612 = arith.constant 249 : i32
      %min3A_613 = arith.minsi %add3A_611, %min3A_612 : i32
      %mul3A_614 = arith.constant 80 : i32
      %mul3A_615 = arith.muli %min3A_613, %mul3A_614 : i32
      %dma_start3A_616 = tpu.memref_slice %arg3[%arg0, %arg1, %mul3A_615] : memref<2x16x20000xi32, #tpu.memory_space<hbm>> -> memref<1x1x80xi32, #tpu.memory_space<hbm>>
      %dma_start3A_617 = tpu.memref_squeeze %dma_start3A_616 : memref<1x1x80xi32, #tpu.memory_space<hbm>> -> memref<80xi32, #tpu.memory_space<hbm>>
      %dma_start3A_618 = tpu.memref_slice %arg3[%arg0, %arg1, %mul3A_615] : memref<2x16x20000xi32, #tpu.memory_space<hbm>> -> memref<1x1x80xi32, #tpu.memory_space<hbm>>
      %dma_start3A_619 = tpu.memref_squeeze %dma_start3A_618 : memref<1x1x80xi32, #tpu.memory_space<hbm>> -> memref<80xi32, #tpu.memory_space<hbm>>
      tpu.enqueue_dma source(%dma_start3A_619 : memref<80xi32, #tpu.memory_space<hbm>>) target(%arg9 : memref<80xi32, #tpu.memory_space<vmem>>) target_semaphore(%arg33 : memref<!tpu.dma_semaphore, #tpu.memory_space<semaphore_mem>>)
      %dma_start3A_620 = arith.constant 0 : i32
      %dma_start3A_621 = arith.constant 0 : i32
      %dma_start3A_622 = tpu.memref_slice %arg2[%dma_start3A_620, %dma_start3A_621] : memref<10000x136xf32, #tpu.memory_space<hbm>> -> memref<10000x136xf32, #tpu.memory_space<hbm>>
      tpu.enqueue_indirect_dma source(%dma_start3A_622 : memref<10000x136xf32, #tpu.memory_space<hbm>>) target(%arg21 : memref<80x136xf32, #tpu.memory_space<vmem>>) offsets(%arg13 : memref<80xi32, #tpu.memory_space<vmem>>) semaphore(%arg25 : memref<!tpu.dma_semaphore, #tpu.memory_space<semaphore_mem>>)
      %mul3A_623 = arith.constant 4 : i32
      %mul3A_624 = arith.muli %scan3A_286, %mul3A_623 : i32
      %add3A_625 = arith.constant 3 : i32
      %add3A_626 = arith.addi %mul3A_624, %add3A_625 : i32
      %gt3A_627 = arith.constant 0 : i32
      %gt3A_628 = arith.cmpi sgt, %scan3A_286, %gt3A_627 : i32
      %convert_element_type3A_629 = arith.extui %gt3A_628 : i1 to i32
      %cond3A_630 = arith.constant 0 : i32
      %cond3A_631 = arith.cmpi ne, %convert_element_type3A_629, %cond3A_630 : i32
      scf.if %cond3A_631 {
        %dma_wait3A_760 = arith.constant 0 : i32
        %dma_wait3A_761 = arith.constant 0 : i32
        %dma_wait3A_762 = tpu.memref_slice %arg35[%dma_wait3A_760, %dma_wait3A_761] : memref<10000x136xf32, #tpu.memory_space<vmem_shared>> -> memref<10000x136xf32, #tpu.memory_space<vmem_shared>>
        tpu.wait_indirect_dma semaphore(%arg30 : memref<!tpu.dma_semaphore, #tpu.memory_space<semaphore_mem>>) src(%arg22 : memref<80x136xf32, #tpu.memory_space<vmem>>) dst(%dma_wait3A_762 : memref<10000x136xf32, #tpu.memory_space<vmem_shared>>)
      } else {
      }
      %mul3A_632 = arith.constant 80 : i32
      %mul3A_633 = arith.muli %add3A_626, %mul3A_632 : i32
      %dma_wait3A_634 = tpu.memref_slice %arg3[%arg0, %arg1, %mul3A_633] : memref<2x16x20000xi32, #tpu.memory_space<hbm>> -> memref<1x1x80xi32, #tpu.memory_space<hbm>>
      %dma_wait3A_635 = tpu.memref_squeeze %dma_wait3A_634 : memref<1x1x80xi32, #tpu.memory_space<hbm>> -> memref<80xi32, #tpu.memory_space<hbm>>
      %dma_wait3A_636 = tpu.memref_slice %arg3[%arg0, %arg1, %mul3A_633] : memref<2x16x20000xi32, #tpu.memory_space<hbm>> -> memref<1x1x80xi32, #tpu.memory_space<hbm>>
      %dma_wait3A_637 = tpu.memref_squeeze %dma_wait3A_636 : memref<1x1x80xi32, #tpu.memory_space<hbm>> -> memref<80xi32, #tpu.memory_space<hbm>>
      tpu.wait_dma2 semaphore(%arg34 : memref<!tpu.dma_semaphore, #tpu.memory_space<semaphore_mem>>) src(%dma_wait3A_637 : memref<80xi32, #tpu.memory_space<hbm>>) dst(%arg10 : memref<80xi32, #tpu.memory_space<vmem>>)
      %get3A_638 = arith.constant 0 : index
      %get3A_639 = tpu.vector_load %arg10[%get3A_638] {strides = array<i32>} : memref<80xi32, #tpu.memory_space<vmem>>, vector<16xi32>,
      %get3A_640 = vector.shape_cast %get3A_639 : vector<16xi32> to vector<16xi32>
      %and3A_641 = arith.constant 65535 : i32
      %and3A_642 = vector.broadcast %and3A_641 : i32 to vector<16xi32>
      %and3A_643 = arith.andi %get3A_640, %and3A_642 : vector<16xi32>
      %swap3A_644 = arith.constant 0 : index
      %swap3A_645 = tpu.vector_load %arg14[%swap3A_644] {strides = array<i32>} : memref<80xi32, #tpu.memory_space<vmem>>, vector<16xi32>,
      %swap3A_646 = vector.shape_cast %swap3A_645 : vector<16xi32> to vector<16xi32>
      %swap3A_647 = vector.shape_cast %and3A_643 : vector<16xi32> to vector<16xi32>
      tpu.vector_store %arg14[%swap3A_644], %swap3A_647 {strides = array<i32>} : memref<80xi32, #tpu.memory_space<vmem>>, vector<16xi32>,
      %shift_right_logical3A_648 = arith.constant 16 : i32
      %shift_right_logical3A_649 = vector.broadcast %shift_right_logical3A_648 : i32 to vector<16xi32>
      %shift_right_logical3A_650 = arith.shrui %get3A_640, %shift_right_logical3A_649 : vector<16xi32>
      %swap3A_651 = arith.constant 0 : index
      %swap3A_652 = tpu.vector_load %arg18[%swap3A_651] {strides = array<i32>} : memref<80xi32, #tpu.memory_space<vmem>>, vector<16xi32>,
      %swap3A_653 = vector.shape_cast %swap3A_652 : vector<16xi32> to vector<16xi32>
      %swap3A_654 = vector.shape_cast %shift_right_logical3A_650 : vector<16xi32> to vector<16xi32>
      tpu.vector_store %arg18[%swap3A_651], %swap3A_654 {strides = array<i32>} : memref<80xi32, #tpu.memory_space<vmem>>, vector<16xi32>,
      %get3A_655 = arith.constant 16 : index
      %get3A_656 = tpu.vector_load %arg10[%get3A_655] {strides = array<i32>} : memref<80xi32, #tpu.memory_space<vmem>>, vector<16xi32>,
      %get3A_657 = vector.shape_cast %get3A_656 : vector<16xi32> to vector<16xi32>
      %and3A_658 = arith.constant 65535 : i32
      %and3A_659 = vector.broadcast %and3A_658 : i32 to vector<16xi32>
      %and3A_660 = arith.andi %get3A_657, %and3A_659 : vector<16xi32>
      %swap3A_661 = arith.constant 16 : index
      %swap3A_662 = tpu.vector_load %arg14[%swap3A_661] {strides = array<i32>} : memref<80xi32, #tpu.memory_space<vmem>>, vector<16xi32>,
      %swap3A_663 = vector.shape_cast %swap3A_662 : vector<16xi32> to vector<16xi32>
      %swap3A_664 = vector.shape_cast %and3A_660 : vector<16xi32> to vector<16xi32>
      tpu.vector_store %arg14[%swap3A_661], %swap3A_664 {strides = array<i32>} : memref<80xi32, #tpu.memory_space<vmem>>, vector<16xi32>,
      %shift_right_logical3A_665 = arith.constant 16 : i32
      %shift_right_logical3A_666 = vector.broadcast %shift_right_logical3A_665 : i32 to vector<16xi32>
      %shift_right_logical3A_667 = arith.shrui %get3A_657, %shift_right_logical3A_666 : vector<16xi32>
      %swap3A_668 = arith.constant 16 : index
      %swap3A_669 = tpu.vector_load %arg18[%swap3A_668] {strides = array<i32>} : memref<80xi32, #tpu.memory_space<vmem>>, vector<16xi32>,
      %swap3A_670 = vector.shape_cast %swap3A_669 : vector<16xi32> to vector<16xi32>
      %swap3A_671 = vector.shape_cast %shift_right_logical3A_667 : vector<16xi32> to vector<16xi32>
      tpu.vector_store %arg18[%swap3A_668], %swap3A_671 {strides = array<i32>} : memref<80xi32, #tpu.memory_space<vmem>>, vector<16xi32>,
      %get3A_672 = arith.constant 32 : index
      %get3A_673 = tpu.vector_load %arg10[%get3A_672] {strides = array<i32>} : memref<80xi32, #tpu.memory_space<vmem>>, vector<16xi32>,
      %get3A_674 = vector.shape_cast %get3A_673 : vector<16xi32> to vector<16xi32>
      %and3A_675 = arith.constant 65535 : i32
      %and3A_676 = vector.broadcast %and3A_675 : i32 to vector<16xi32>
      %and3A_677 = arith.andi %get3A_674, %and3A_676 : vector<16xi32>
      %swap3A_678 = arith.constant 32 : index
      %swap3A_679 = tpu.vector_load %arg14[%swap3A_678] {strides = array<i32>} : memref<80xi32, #tpu.memory_space<vmem>>, vector<16xi32>,
      %swap3A_680 = vector.shape_cast %swap3A_679 : vector<16xi32> to vector<16xi32>
      %swap3A_681 = vector.shape_cast %and3A_677 : vector<16xi32> to vector<16xi32>
      tpu.vector_store %arg14[%swap3A_678], %swap3A_681 {strides = array<i32>} : memref<80xi32, #tpu.memory_space<vmem>>, vector<16xi32>,
      %shift_right_logical3A_682 = arith.constant 16 : i32
      %shift_right_logical3A_683 = vector.broadcast %shift_right_logical3A_682 : i32 to vector<16xi32>
      %shift_right_logical3A_684 = arith.shrui %get3A_674, %shift_right_logical3A_683 : vector<16xi32>
      %swap3A_685 = arith.constant 32 : index
      %swap3A_686 = tpu.vector_load %arg18[%swap3A_685] {strides = array<i32>} : memref<80xi32, #tpu.memory_space<vmem>>, vector<16xi32>,
      %swap3A_687 = vector.shape_cast %swap3A_686 : vector<16xi32> to vector<16xi32>
      %swap3A_688 = vector.shape_cast %shift_right_logical3A_684 : vector<16xi32> to vector<16xi32>
      tpu.vector_store %arg18[%swap3A_685], %swap3A_688 {strides = array<i32>} : memref<80xi32, #tpu.memory_space<vmem>>, vector<16xi32>,
      %get3A_689 = arith.constant 48 : index
      %get3A_690 = tpu.vector_load %arg10[%get3A_689] {strides = array<i32>} : memref<80xi32, #tpu.memory_space<vmem>>, vector<16xi32>,
      %get3A_691 = vector.shape_cast %get3A_690 : vector<16xi32> to vector<16xi32>
      %and3A_692 = arith.constant 65535 : i32
      %and3A_693 = vector.broadcast %and3A_692 : i32 to vector<16xi32>
      %and3A_694 = arith.andi %get3A_691, %and3A_693 : vector<16xi32>
      %swap3A_695 = arith.constant 48 : index
      %swap3A_696 = tpu.vector_load %arg14[%swap3A_695] {strides = array<i32>} : memref<80xi32, #tpu.memory_space<vmem>>, vector<16xi32>,
      %swap3A_697 = vector.shape_cast %swap3A_696 : vector<16xi32> to vector<16xi32>
      %swap3A_698 = vector.shape_cast %and3A_694 : vector<16xi32> to vector<16xi32>
      tpu.vector_store %arg14[%swap3A_695], %swap3A_698 {strides = array<i32>} : memref<80xi32, #tpu.memory_space<vmem>>, vector<16xi32>,
      %shift_right_logical3A_699 = arith.constant 16 : i32
      %shift_right_logical3A_700 = vector.broadcast %shift_right_logical3A_699 : i32 to vector<16xi32>
      %shift_right_logical3A_701 = arith.shrui %get3A_691, %shift_right_logical3A_700 : vector<16xi32>
      %swap3A_702 = arith.constant 48 : index
      %swap3A_703 = tpu.vector_load %arg18[%swap3A_702] {strides = array<i32>} : memref<80xi32, #tpu.memory_space<vmem>>, vector<16xi32>,
      %swap3A_704 = vector.shape_cast %swap3A_703 : vector<16xi32> to vector<16xi32>
      %swap3A_705 = vector.shape_cast %shift_right_logical3A_701 : vector<16xi32> to vector<16xi32>
      tpu.vector_store %arg18[%swap3A_702], %swap3A_705 {strides = array<i32>} : memref<80xi32, #tpu.memory_space<vmem>>, vector<16xi32>,
      %get3A_706 = arith.constant 64 : index
      %get3A_707 = tpu.vector_load %arg10[%get3A_706] {strides = array<i32>} : memref<80xi32, #tpu.memory_space<vmem>>, vector<16xi32>,
      %get3A_708 = vector.shape_cast %get3A_707 : vector<16xi32> to vector<16xi32>
      %and3A_709 = arith.constant 65535 : i32
      %and3A_710 = vector.broadcast %and3A_709 : i32 to vector<16xi32>
      %and3A_711 = arith.andi %get3A_708, %and3A_710 : vector<16xi32>
      %swap3A_712 = arith.constant 64 : index
      %swap3A_713 = tpu.vector_load %arg14[%swap3A_712] {strides = array<i32>} : memref<80xi32, #tpu.memory_space<vmem>>, vector<16xi32>,
      %swap3A_714 = vector.shape_cast %swap3A_713 : vector<16xi32> to vector<16xi32>
      %swap3A_715 = vector.shape_cast %and3A_711 : vector<16xi32> to vector<16xi32>
      tpu.vector_store %arg14[%swap3A_712], %swap3A_715 {strides = array<i32>} : memref<80xi32, #tpu.memory_space<vmem>>, vector<16xi32>,
      %shift_right_logical3A_716 = arith.constant 16 : i32
      %shift_right_logical3A_717 = vector.broadcast %shift_right_logical3A_716 : i32 to vector<16xi32>
      %shift_right_logical3A_718 = arith.shrui %get3A_708, %shift_right_logical3A_717 : vector<16xi32>
      %swap3A_719 = arith.constant 64 : index
      %swap3A_720 = tpu.vector_load %arg18[%swap3A_719] {strides = array<i32>} : memref<80xi32, #tpu.memory_space<vmem>>, vector<16xi32>,
      %swap3A_721 = vector.shape_cast %swap3A_720 : vector<16xi32> to vector<16xi32>
      %swap3A_722 = vector.shape_cast %shift_right_logical3A_718 : vector<16xi32> to vector<16xi32>
      tpu.vector_store %arg18[%swap3A_719], %swap3A_722 {strides = array<i32>} : memref<80xi32, #tpu.memory_space<vmem>>, vector<16xi32>,
      %add3A_723 = arith.constant 4 : i32
      %add3A_724 = arith.addi %add3A_626, %add3A_723 : i32
      %min3A_725 = arith.constant 249 : i32
      %min3A_726 = arith.minsi %add3A_724, %min3A_725 : i32
      %mul3A_727 = arith.constant 80 : i32
      %mul3A_728 = arith.muli %min3A_726, %mul3A_727 : i32
      %dma_start3A_729 = tpu.memref_slice %arg3[%arg0, %arg1, %mul3A_728] : memref<2x16x20000xi32, #tpu.memory_space<hbm>> -> memref<1x1x80xi32, #tpu.memory_space<hbm>>
      %dma_start3A_730 = tpu.memref_squeeze %dma_start3A_729 : memref<1x1x80xi32, #tpu.memory_space<hbm>> -> memref<80xi32, #tpu.memory_space<hbm>>
      %dma_start3A_731 = tpu.memref_slice %arg3[%arg0, %arg1, %mul3A_728] : memref<2x16x20000xi32, #tpu.memory_space<hbm>> -> memref<1x1x80xi32, #tpu.memory_space<hbm>>
      %dma_start3A_732 = tpu.memref_squeeze %dma_start3A_731 : memref<1x1x80xi32, #tpu.memory_space<hbm>> -> memref<80xi32, #tpu.memory_space<hbm>>
      tpu.enqueue_dma source(%dma_start3A_732 : memref<80xi32, #tpu.memory_space<hbm>>) target(%arg10 : memref<80xi32, #tpu.memory_space<vmem>>) target_semaphore(%arg34 : memref<!tpu.dma_semaphore, #tpu.memory_space<semaphore_mem>>)
      %dma_start3A_733 = arith.constant 0 : i32
      %dma_start3A_734 = arith.constant 0 : i32
      %dma_start3A_735 = tpu.memref_slice %arg2[%dma_start3A_733, %dma_start3A_734] : memref<10000x136xf32, #tpu.memory_space<hbm>> -> memref<10000x136xf32, #tpu.memory_space<hbm>>
      tpu.enqueue_indirect_dma source(%dma_start3A_735 : memref<10000x136xf32, #tpu.memory_space<hbm>>) target(%arg22 : memref<80x136xf32, #tpu.memory_space<vmem>>) offsets(%arg14 : memref<80xi32, #tpu.memory_space<vmem>>) semaphore(%arg26 : memref<!tpu.dma_semaphore, #tpu.memory_space<semaphore_mem>>)
      %dma_wait3A_736 = arith.constant 0 : i32
      %dma_wait3A_737 = arith.constant 0 : i32
      %dma_wait3A_738 = tpu.memref_slice %arg2[%dma_wait3A_736, %dma_wait3A_737] : memref<10000x136xf32, #tpu.memory_space<hbm>> -> memref<10000x136xf32, #tpu.memory_space<hbm>>
      tpu.wait_indirect_dma semaphore(%arg23 : memref<!tpu.dma_semaphore, #tpu.memory_space<semaphore_mem>>) src(%dma_wait3A_738 : memref<10000x136xf32, #tpu.memory_space<hbm>>) dst(%arg19 : memref<80x136xf32, #tpu.memory_space<vmem>>)
      %dma_start3A_739 = arith.constant 0 : i32
      %dma_start3A_740 = arith.constant 0 : i32
      %dma_start3A_741 = tpu.memref_slice %arg35[%dma_start3A_739, %dma_start3A_740] : memref<10000x136xf32, #tpu.memory_space<vmem_shared>> -> memref<10000x136xf32, #tpu.memory_space<vmem_shared>>
      tpu.enqueue_indirect_dma source(%arg19 : memref<80x136xf32, #tpu.memory_space<vmem>>) target(%dma_start3A_741 : memref<10000x136xf32, #tpu.memory_space<vmem_shared>>) offsets(%arg15 : memref<80xi32, #tpu.memory_space<vmem>>) semaphore(%arg27 : memref<!tpu.dma_semaphore, #tpu.memory_space<semaphore_mem>>) {add = true}
      %dma_wait3A_742 = arith.constant 0 : i32
      %dma_wait3A_743 = arith.constant 0 : i32
      %dma_wait3A_744 = tpu.memref_slice %arg2[%dma_wait3A_742, %dma_wait3A_743] : memref<10000x136xf32, #tpu.memory_space<hbm>> -> memref<10000x136xf32, #tpu.memory_space<hbm>>
      tpu.wait_indirect_dma semaphore(%arg24 : memref<!tpu.dma_semaphore, #tpu.memory_space<semaphore_mem>>) src(%dma_wait3A_744 : memref<10000x136xf32, #tpu.memory_space<hbm>>) dst(%arg20 : memref<80x136xf32, #tpu.memory_space<vmem>>)
      %dma_start3A_745 = arith.constant 0 : i32
      %dma_start3A_746 = arith.constant 0 : i32
      %dma_start3A_747 = tpu.memref_slice %arg35[%dma_start3A_745, %dma_start3A_746] : memref<10000x136xf32, #tpu.memory_space<vmem_shared>> -> memref<10000x136xf32, #tpu.memory_space<vmem_shared>>
      tpu.enqueue_indirect_dma source(%arg20 : memref<80x136xf32, #tpu.memory_space<vmem>>) target(%dma_start3A_747 : memref<10000x136xf32, #tpu.memory_space<vmem_shared>>) offsets(%arg16 : memref<80xi32, #tpu.memory_space<vmem>>) semaphore(%arg28 : memref<!tpu.dma_semaphore, #tpu.memory_space<semaphore_mem>>) {add = true}
      %dma_wait3A_748 = arith.constant 0 : i32
      %dma_wait3A_749 = arith.constant 0 : i32
      %dma_wait3A_750 = tpu.memref_slice %arg2[%dma_wait3A_748, %dma_wait3A_749] : memref<10000x136xf32, #tpu.memory_space<hbm>> -> memref<10000x136xf32, #tpu.memory_space<hbm>>
      tpu.wait_indirect_dma semaphore(%arg25 : memref<!tpu.dma_semaphore, #tpu.memory_space<semaphore_mem>>) src(%dma_wait3A_750 : memref<10000x136xf32, #tpu.memory_space<hbm>>) dst(%arg21 : memref<80x136xf32, #tpu.memory_space<vmem>>)
      %dma_start3A_751 = arith.constant 0 : i32
      %dma_start3A_752 = arith.constant 0 : i32
      %dma_start3A_753 = tpu.memref_slice %arg35[%dma_start3A_751, %dma_start3A_752] : memref<10000x136xf32, #tpu.memory_space<vmem_shared>> -> memref<10000x136xf32, #tpu.memory_space<vmem_shared>>
      tpu.enqueue_indirect_dma source(%arg21 : memref<80x136xf32, #tpu.memory_space<vmem>>) target(%dma_start3A_753 : memref<10000x136xf32, #tpu.memory_space<vmem_shared>>) offsets(%arg17 : memref<80xi32, #tpu.memory_space<vmem>>) semaphore(%arg29 : memref<!tpu.dma_semaphore, #tpu.memory_space<semaphore_mem>>) {add = true}
      %dma_wait3A_754 = arith.constant 0 : i32
      %dma_wait3A_755 = arith.constant 0 : i32
      %dma_wait3A_756 = tpu.memref_slice %arg2[%dma_wait3A_754, %dma_wait3A_755] : memref<10000x136xf32, #tpu.memory_space<hbm>> -> memref<10000x136xf32, #tpu.memory_space<hbm>>
      tpu.wait_indirect_dma semaphore(%arg26 : memref<!tpu.dma_semaphore, #tpu.memory_space<semaphore_mem>>) src(%dma_wait3A_756 : memref<10000x136xf32, #tpu.memory_space<hbm>>) dst(%arg22 : memref<80x136xf32, #tpu.memory_space<vmem>>)
      %dma_start3A_757 = arith.constant 0 : i32
      %dma_start3A_758 = arith.constant 0 : i32
      %dma_start3A_759 = tpu.memref_slice %arg35[%dma_start3A_757, %dma_start3A_758] : memref<10000x136xf32, #tpu.memory_space<vmem_shared>> -> memref<10000x136xf32, #tpu.memory_space<vmem_shared>>
      tpu.enqueue_indirect_dma source(%arg22 : memref<80x136xf32, #tpu.memory_space<vmem>>) target(%dma_start3A_759 : memref<10000x136xf32, #tpu.memory_space<vmem_shared>>) offsets(%arg18 : memref<80xi32, #tpu.memory_space<vmem>>) semaphore(%arg30 : memref<!tpu.dma_semaphore, #tpu.memory_space<semaphore_mem>>) {add = true}
    }
    %scan3A_28 = arith.constant 62 : i32
    %dma_wait3A = arith.constant 0 : i32
    %dma_wait3A_29 = arith.constant 0 : i32
    %dma_wait3A_30 = tpu.memref_slice %arg35[%dma_wait3A, %dma_wait3A_29] : memref<10000x136xf32, #tpu.memory_space<vmem_shared>> -> memref<10000x136xf32, #tpu.memory_space<vmem_shared>>
    tpu.wait_indirect_dma semaphore(%arg27 : memref<!tpu.dma_semaphore, #tpu.memory_space<semaphore_mem>>) src(%arg19 : memref<80x136xf32, #tpu.memory_space<vmem>>) dst(%dma_wait3A_30 : memref<10000x136xf32, #tpu.memory_space<vmem_shared>>)
    %dma_wait3A_31 = arith.constant 0 : i32
    %dma_wait3A_32 = tpu.memref_slice %arg3[%arg0, %arg1, %dma_wait3A_31] : memref<2x16x20000xi32, #tpu.memory_space<hbm>> -> memref<1x1x80xi32, #tpu.memory_space<hbm>>
    %dma_wait3A_33 = tpu.memref_squeeze %dma_wait3A_32 : memref<1x1x80xi32, #tpu.memory_space<hbm>> -> memref<80xi32, #tpu.memory_space<hbm>>
    %dma_wait3A_34 = arith.constant 0 : i32
    %dma_wait3A_35 = tpu.memref_slice %arg3[%arg0, %arg1, %dma_wait3A_34] : memref<2x16x20000xi32, #tpu.memory_space<hbm>> -> memref<1x1x80xi32, #tpu.memory_space<hbm>>
    %dma_wait3A_36 = tpu.memref_squeeze %dma_wait3A_35 : memref<1x1x80xi32, #tpu.memory_space<hbm>> -> memref<80xi32, #tpu.memory_space<hbm>>
    tpu.wait_dma2 semaphore(%arg31 : memref<!tpu.dma_semaphore, #tpu.memory_space<semaphore_mem>>) src(%dma_wait3A_36 : memref<80xi32, #tpu.memory_space<hbm>>) dst(%arg7 : memref<80xi32, #tpu.memory_space<vmem>>)
    %dma_wait3A_37 = arith.constant 0 : i32
    %dma_wait3A_38 = arith.constant 0 : i32
    %dma_wait3A_39 = tpu.memref_slice %arg35[%dma_wait3A_37, %dma_wait3A_38] : memref<10000x136xf32, #tpu.memory_space<vmem_shared>> -> memref<10000x136xf32, #tpu.memory_space<vmem_shared>>
    tpu.wait_indirect_dma semaphore(%arg28 : memref<!tpu.dma_semaphore, #tpu.memory_space<semaphore_mem>>) src(%arg20 : memref<80x136xf32, #tpu.memory_space<vmem>>) dst(%dma_wait3A_39 : memref<10000x136xf32, #tpu.memory_space<vmem_shared>>)
    %dma_wait3A_40 = arith.constant 0 : i32
    %dma_wait3A_41 = tpu.memref_slice %arg3[%arg0, %arg1, %dma_wait3A_40] : memref<2x16x20000xi32, #tpu.memory_space<hbm>> -> memref<1x1x80xi32, #tpu.memory_space<hbm>>
    %dma_wait3A_42 = tpu.memref_squeeze %dma_wait3A_41 : memref<1x1x80xi32, #tpu.memory_space<hbm>> -> memref<80xi32, #tpu.memory_space<hbm>>
    %dma_wait3A_43 = arith.constant 0 : i32
    %dma_wait3A_44 = tpu.memref_slice %arg3[%arg0, %arg1, %dma_wait3A_43] : memref<2x16x20000xi32, #tpu.memory_space<hbm>> -> memref<1x1x80xi32, #tpu.memory_space<hbm>>
    %dma_wait3A_45 = tpu.memref_squeeze %dma_wait3A_44 : memref<1x1x80xi32, #tpu.memory_space<hbm>> -> memref<80xi32, #tpu.memory_space<hbm>>
    tpu.wait_dma2 semaphore(%arg32 : memref<!tpu.dma_semaphore, #tpu.memory_space<semaphore_mem>>) src(%dma_wait3A_45 : memref<80xi32, #tpu.memory_space<hbm>>) dst(%arg8 : memref<80xi32, #tpu.memory_space<vmem>>)
    %dma_wait3A_46 = arith.constant 0 : i32
    %dma_wait3A_47 = arith.constant 0 : i32
    %dma_wait3A_48 = tpu.memref_slice %arg35[%dma_wait3A_46, %dma_wait3A_47] : memref<10000x136xf32, #tpu.memory_space<vmem_shared>> -> memref<10000x136xf32, #tpu.memory_space<vmem_shared>>
    tpu.wait_indirect_dma semaphore(%arg29 : memref<!tpu.dma_semaphore, #tpu.memory_space<semaphore_mem>>) src(%arg21 : memref<80x136xf32, #tpu.memory_space<vmem>>) dst(%dma_wait3A_48 : memref<10000x136xf32, #tpu.memory_space<vmem_shared>>)
    %dma_wait3A_49 = arith.constant 0 : i32
    %dma_wait3A_50 = tpu.memref_slice %arg3[%arg0, %arg1, %dma_wait3A_49] : memref<2x16x20000xi32, #tpu.memory_space<hbm>> -> memref<1x1x80xi32, #tpu.memory_space<hbm>>
    %dma_wait3A_51 = tpu.memref_squeeze %dma_wait3A_50 : memref<1x1x80xi32, #tpu.memory_space<hbm>> -> memref<80xi32, #tpu.memory_space<hbm>>
    %dma_wait3A_52 = arith.constant 0 : i32
    %dma_wait3A_53 = tpu.memref_slice %arg3[%arg0, %arg1, %dma_wait3A_52] : memref<2x16x20000xi32, #tpu.memory_space<hbm>> -> memref<1x1x80xi32, #tpu.memory_space<hbm>>
    %dma_wait3A_54 = tpu.memref_squeeze %dma_wait3A_53 : memref<1x1x80xi32, #tpu.memory_space<hbm>> -> memref<80xi32, #tpu.memory_space<hbm>>
    tpu.wait_dma2 semaphore(%arg33 : memref<!tpu.dma_semaphore, #tpu.memory_space<semaphore_mem>>) src(%dma_wait3A_54 : memref<80xi32, #tpu.memory_space<hbm>>) dst(%arg9 : memref<80xi32, #tpu.memory_space<vmem>>)
    %dma_wait3A_55 = arith.constant 0 : i32
    %dma_wait3A_56 = arith.constant 0 : i32
    %dma_wait3A_57 = tpu.memref_slice %arg35[%dma_wait3A_55, %dma_wait3A_56] : memref<10000x136xf32, #tpu.memory_space<vmem_shared>> -> memref<10000x136xf32, #tpu.memory_space<vmem_shared>>
    tpu.wait_indirect_dma semaphore(%arg30 : memref<!tpu.dma_semaphore, #tpu.memory_space<semaphore_mem>>) src(%arg22 : memref<80x136xf32, #tpu.memory_space<vmem>>) dst(%dma_wait3A_57 : memref<10000x136xf32, #tpu.memory_space<vmem_shared>>)
    %dma_wait3A_58 = arith.constant 0 : i32
    %dma_wait3A_59 = tpu.memref_slice %arg3[%arg0, %arg1, %dma_wait3A_58] : memref<2x16x20000xi32, #tpu.memory_space<hbm>> -> memref<1x1x80xi32, #tpu.memory_space<hbm>>
    %dma_wait3A_60 = tpu.memref_squeeze %dma_wait3A_59 : memref<1x1x80xi32, #tpu.memory_space<hbm>> -> memref<80xi32, #tpu.memory_space<hbm>>
    %dma_wait3A_61 = arith.constant 0 : i32
    %dma_wait3A_62 = tpu.memref_slice %arg3[%arg0, %arg1, %dma_wait3A_61] : memref<2x16x20000xi32, #tpu.memory_space<hbm>> -> memref<1x1x80xi32, #tpu.memory_space<hbm>>
    %dma_wait3A_63 = tpu.memref_squeeze %dma_wait3A_62 : memref<1x1x80xi32, #tpu.memory_space<hbm>> -> memref<80xi32, #tpu.memory_space<hbm>>
    tpu.wait_dma2 semaphore(%arg34 : memref<!tpu.dma_semaphore, #tpu.memory_space<semaphore_mem>>) src(%dma_wait3A_63 : memref<80xi32, #tpu.memory_space<hbm>>) dst(%arg10 : memref<80xi32, #tpu.memory_space<vmem>>)
    %dma_start3A_64 = arith.constant 19840 : i32
    %dma_start3A_65 = tpu.memref_slice %arg3[%arg0, %arg1, %dma_start3A_64] : memref<2x16x20000xi32, #tpu.memory_space<hbm>> -> memref<1x1x80xi32, #tpu.memory_space<hbm>>
    %dma_start3A_66 = tpu.memref_squeeze %dma_start3A_65 : memref<1x1x80xi32, #tpu.memory_space<hbm>> -> memref<80xi32, #tpu.memory_space<hbm>>
    %dma_start3A_67 = arith.constant 19840 : i32
    %dma_start3A_68 = tpu.memref_slice %arg3[%arg0, %arg1, %dma_start3A_67] : memref<2x16x20000xi32, #tpu.memory_space<hbm>> -> memref<1x1x80xi32, #tpu.memory_space<hbm>>
    %dma_start3A_69 = tpu.memref_squeeze %dma_start3A_68 : memref<1x1x80xi32, #tpu.memory_space<hbm>> -> memref<80xi32, #tpu.memory_space<hbm>>
    tpu.enqueue_dma source(%dma_start3A_69 : memref<80xi32, #tpu.memory_space<hbm>>) target(%arg7 : memref<80xi32, #tpu.memory_space<vmem>>) target_semaphore(%arg31 : memref<!tpu.dma_semaphore, #tpu.memory_space<semaphore_mem>>)
    %dma_wait3A_70 = arith.constant 19840 : i32
    %dma_wait3A_71 = tpu.memref_slice %arg3[%arg0, %arg1, %dma_wait3A_70] : memref<2x16x20000xi32, #tpu.memory_space<hbm>> -> memref<1x1x80xi32, #tpu.memory_space<hbm>>
    %dma_wait3A_72 = tpu.memref_squeeze %dma_wait3A_71 : memref<1x1x80xi32, #tpu.memory_space<hbm>> -> memref<80xi32, #tpu.memory_space<hbm>>
    %dma_wait3A_73 = arith.constant 19840 : i32
    %dma_wait3A_74 = tpu.memref_slice %arg3[%arg0, %arg1, %dma_wait3A_73] : memref<2x16x20000xi32, #tpu.memory_space<hbm>> -> memref<1x1x80xi32, #tpu.memory_space<hbm>>
    %dma_wait3A_75 = tpu.memref_squeeze %dma_wait3A_74 : memref<1x1x80xi32, #tpu.memory_space<hbm>> -> memref<80xi32, #tpu.memory_space<hbm>>
    tpu.wait_dma2 semaphore(%arg31 : memref<!tpu.dma_semaphore, #tpu.memory_space<semaphore_mem>>) src(%dma_wait3A_75 : memref<80xi32, #tpu.memory_space<hbm>>) dst(%arg7 : memref<80xi32, #tpu.memory_space<vmem>>)
    %get3A = arith.constant 0 : index
    %get3A_76 = tpu.vector_load %arg7[%get3A] {strides = array<i32>} : memref<80xi32, #tpu.memory_space<vmem>>, vector<16xi32>,
    %get3A_77 = vector.shape_cast %get3A_76 : vector<16xi32> to vector<16xi32>
    %and3A = arith.constant 65535 : i32
    %and3A_78 = vector.broadcast %and3A : i32 to vector<16xi32>
    %and3A_79 = arith.andi %get3A_77, %and3A_78 : vector<16xi32>
    %swap3A = arith.constant 0 : index
    %swap3A_80 = tpu.vector_load %arg11[%swap3A] {strides = array<i32>} : memref<80xi32, #tpu.memory_space<vmem>>, vector<16xi32>,
    %swap3A_81 = vector.shape_cast %swap3A_80 : vector<16xi32> to vector<16xi32>
    %swap3A_82 = vector.shape_cast %and3A_79 : vector<16xi32> to vector<16xi32>
    tpu.vector_store %arg11[%swap3A], %swap3A_82 {strides = array<i32>} : memref<80xi32, #tpu.memory_space<vmem>>, vector<16xi32>,
    %shift_right_logical3A = arith.constant 16 : i32
    %shift_right_logical3A_83 = vector.broadcast %shift_right_logical3A : i32 to vector<16xi32>
    %shift_right_logical3A_84 = arith.shrui %get3A_77, %shift_right_logical3A_83 : vector<16xi32>
    %swap3A_85 = arith.constant 0 : index
    %swap3A_86 = tpu.vector_load %arg15[%swap3A_85] {strides = array<i32>} : memref<80xi32, #tpu.memory_space<vmem>>, vector<16xi32>,
    %swap3A_87 = vector.shape_cast %swap3A_86 : vector<16xi32> to vector<16xi32>
    %swap3A_88 = vector.shape_cast %shift_right_logical3A_84 : vector<16xi32> to vector<16xi32>
    tpu.vector_store %arg15[%swap3A_85], %swap3A_88 {strides = array<i32>} : memref<80xi32, #tpu.memory_space<vmem>>, vector<16xi32>,
    %get3A_89 = arith.constant 16 : index
    %get3A_90 = tpu.vector_load %arg7[%get3A_89] {strides = array<i32>} : memref<80xi32, #tpu.memory_space<vmem>>, vector<16xi32>,
    %get3A_91 = vector.shape_cast %get3A_90 : vector<16xi32> to vector<16xi32>
    %and3A_92 = arith.constant 65535 : i32
    %and3A_93 = vector.broadcast %and3A_92 : i32 to vector<16xi32>
    %and3A_94 = arith.andi %get3A_91, %and3A_93 : vector<16xi32>
    %swap3A_95 = arith.constant 16 : index
    %swap3A_96 = tpu.vector_load %arg11[%swap3A_95] {strides = array<i32>} : memref<80xi32, #tpu.memory_space<vmem>>, vector<16xi32>,
    %swap3A_97 = vector.shape_cast %swap3A_96 : vector<16xi32> to vector<16xi32>
    %swap3A_98 = vector.shape_cast %and3A_94 : vector<16xi32> to vector<16xi32>
    tpu.vector_store %arg11[%swap3A_95], %swap3A_98 {strides = array<i32>} : memref<80xi32, #tpu.memory_space<vmem>>, vector<16xi32>,
    %shift_right_logical3A_99 = arith.constant 16 : i32
    %shift_right_logical3A_100 = vector.broadcast %shift_right_logical3A_99 : i32 to vector<16xi32>
    %shift_right_logical3A_101 = arith.shrui %get3A_91, %shift_right_logical3A_100 : vector<16xi32>
    %swap3A_102 = arith.constant 16 : index
    %swap3A_103 = tpu.vector_load %arg15[%swap3A_102] {strides = array<i32>} : memref<80xi32, #tpu.memory_space<vmem>>, vector<16xi32>,
    %swap3A_104 = vector.shape_cast %swap3A_103 : vector<16xi32> to vector<16xi32>
    %swap3A_105 = vector.shape_cast %shift_right_logical3A_101 : vector<16xi32> to vector<16xi32>
    tpu.vector_store %arg15[%swap3A_102], %swap3A_105 {strides = array<i32>} : memref<80xi32, #tpu.memory_space<vmem>>, vector<16xi32>,
    %get3A_106 = arith.constant 32 : index
    %get3A_107 = tpu.vector_load %arg7[%get3A_106] {strides = array<i32>} : memref<80xi32, #tpu.memory_space<vmem>>, vector<16xi32>,
    %get3A_108 = vector.shape_cast %get3A_107 : vector<16xi32> to vector<16xi32>
    %and3A_109 = arith.constant 65535 : i32
    %and3A_110 = vector.broadcast %and3A_109 : i32 to vector<16xi32>
    %and3A_111 = arith.andi %get3A_108, %and3A_110 : vector<16xi32>
    %swap3A_112 = arith.constant 32 : index
    %swap3A_113 = tpu.vector_load %arg11[%swap3A_112] {strides = array<i32>} : memref<80xi32, #tpu.memory_space<vmem>>, vector<16xi32>,
    %swap3A_114 = vector.shape_cast %swap3A_113 : vector<16xi32> to vector<16xi32>
    %swap3A_115 = vector.shape_cast %and3A_111 : vector<16xi32> to vector<16xi32>
    tpu.vector_store %arg11[%swap3A_112], %swap3A_115 {strides = array<i32>} : memref<80xi32, #tpu.memory_space<vmem>>, vector<16xi32>,
    %shift_right_logical3A_116 = arith.constant 16 : i32
    %shift_right_logical3A_117 = vector.broadcast %shift_right_logical3A_116 : i32 to vector<16xi32>
    %shift_right_logical3A_118 = arith.shrui %get3A_108, %shift_right_logical3A_117 : vector<16xi32>
    %swap3A_119 = arith.constant 32 : index
    %swap3A_120 = tpu.vector_load %arg15[%swap3A_119] {strides = array<i32>} : memref<80xi32, #tpu.memory_space<vmem>>, vector<16xi32>,
    %swap3A_121 = vector.shape_cast %swap3A_120 : vector<16xi32> to vector<16xi32>
    %swap3A_122 = vector.shape_cast %shift_right_logical3A_118 : vector<16xi32> to vector<16xi32>
    tpu.vector_store %arg15[%swap3A_119], %swap3A_122 {strides = array<i32>} : memref<80xi32, #tpu.memory_space<vmem>>, vector<16xi32>,
    %get3A_123 = arith.constant 48 : index
    %get3A_124 = tpu.vector_load %arg7[%get3A_123] {strides = array<i32>} : memref<80xi32, #tpu.memory_space<vmem>>, vector<16xi32>,
    %get3A_125 = vector.shape_cast %get3A_124 : vector<16xi32> to vector<16xi32>
    %and3A_126 = arith.constant 65535 : i32
    %and3A_127 = vector.broadcast %and3A_126 : i32 to vector<16xi32>
    %and3A_128 = arith.andi %get3A_125, %and3A_127 : vector<16xi32>
    %swap3A_129 = arith.constant 48 : index
    %swap3A_130 = tpu.vector_load %arg11[%swap3A_129] {strides = array<i32>} : memref<80xi32, #tpu.memory_space<vmem>>, vector<16xi32>,
    %swap3A_131 = vector.shape_cast %swap3A_130 : vector<16xi32> to vector<16xi32>
    %swap3A_132 = vector.shape_cast %and3A_128 : vector<16xi32> to vector<16xi32>
    tpu.vector_store %arg11[%swap3A_129], %swap3A_132 {strides = array<i32>} : memref<80xi32, #tpu.memory_space<vmem>>, vector<16xi32>,
    %shift_right_logical3A_133 = arith.constant 16 : i32
    %shift_right_logical3A_134 = vector.broadcast %shift_right_logical3A_133 : i32 to vector<16xi32>
    %shift_right_logical3A_135 = arith.shrui %get3A_125, %shift_right_logical3A_134 : vector<16xi32>
    %swap3A_136 = arith.constant 48 : index
    %swap3A_137 = tpu.vector_load %arg15[%swap3A_136] {strides = array<i32>} : memref<80xi32, #tpu.memory_space<vmem>>, vector<16xi32>,
    %swap3A_138 = vector.shape_cast %swap3A_137 : vector<16xi32> to vector<16xi32>
    %swap3A_139 = vector.shape_cast %shift_right_logical3A_135 : vector<16xi32> to vector<16xi32>
    tpu.vector_store %arg15[%swap3A_136], %swap3A_139 {strides = array<i32>} : memref<80xi32, #tpu.memory_space<vmem>>, vector<16xi32>,
    %get3A_140 = arith.constant 64 : index
    %get3A_141 = tpu.vector_load %arg7[%get3A_140] {strides = array<i32>} : memref<80xi32, #tpu.memory_space<vmem>>, vector<16xi32>,
    %get3A_142 = vector.shape_cast %get3A_141 : vector<16xi32> to vector<16xi32>
    %and3A_143 = arith.constant 65535 : i32
    %and3A_144 = vector.broadcast %and3A_143 : i32 to vector<16xi32>
    %and3A_145 = arith.andi %get3A_142, %and3A_144 : vector<16xi32>
    %swap3A_146 = arith.constant 64 : index
    %swap3A_147 = tpu.vector_load %arg11[%swap3A_146] {strides = array<i32>} : memref<80xi32, #tpu.memory_space<vmem>>, vector<16xi32>,
    %swap3A_148 = vector.shape_cast %swap3A_147 : vector<16xi32> to vector<16xi32>
    %swap3A_149 = vector.shape_cast %and3A_145 : vector<16xi32> to vector<16xi32>
    tpu.vector_store %arg11[%swap3A_146], %swap3A_149 {strides = array<i32>} : memref<80xi32, #tpu.memory_space<vmem>>, vector<16xi32>,
    %shift_right_logical3A_150 = arith.constant 16 : i32
    %shift_right_logical3A_151 = vector.broadcast %shift_right_logical3A_150 : i32 to vector<16xi32>
    %shift_right_logical3A_152 = arith.shrui %get3A_142, %shift_right_logical3A_151 : vector<16xi32>
    %swap3A_153 = arith.constant 64 : index
    %swap3A_154 = tpu.vector_load %arg15[%swap3A_153] {strides = array<i32>} : memref<80xi32, #tpu.memory_space<vmem>>, vector<16xi32>,
    %swap3A_155 = vector.shape_cast %swap3A_154 : vector<16xi32> to vector<16xi32>
    %swap3A_156 = vector.shape_cast %shift_right_logical3A_152 : vector<16xi32> to vector<16xi32>
    tpu.vector_store %arg15[%swap3A_153], %swap3A_156 {strides = array<i32>} : memref<80xi32, #tpu.memory_space<vmem>>, vector<16xi32>,
    %dma_start3A_157 = arith.constant 0 : i32
    %dma_start3A_158 = arith.constant 0 : i32
    %dma_start3A_159 = tpu.memref_slice %arg2[%dma_start3A_157, %dma_start3A_158] : memref<10000x136xf32, #tpu.memory_space<hbm>> -> memref<10000x136xf32, #tpu.memory_space<hbm>>
    tpu.enqueue_indirect_dma source(%dma_start3A_159 : memref<10000x136xf32, #tpu.memory_space<hbm>>) target(%arg19 : memref<80x136xf32, #tpu.memory_space<vmem>>) offsets(%arg11 : memref<80xi32, #tpu.memory_space<vmem>>) semaphore(%arg23 : memref<!tpu.dma_semaphore, #tpu.memory_space<semaphore_mem>>)
    %dma_wait3A_160 = arith.constant 0 : i32
    %dma_wait3A_161 = arith.constant 0 : i32
    %dma_wait3A_162 = tpu.memref_slice %arg2[%dma_wait3A_160, %dma_wait3A_161] : memref<10000x136xf32, #tpu.memory_space<hbm>> -> memref<10000x136xf32, #tpu.memory_space<hbm>>
    tpu.wait_indirect_dma semaphore(%arg23 : memref<!tpu.dma_semaphore, #tpu.memory_space<semaphore_mem>>) src(%dma_wait3A_162 : memref<10000x136xf32, #tpu.memory_space<hbm>>) dst(%arg19 : memref<80x136xf32, #tpu.memory_space<vmem>>)
    %dma_start3A_163 = arith.constant 0 : i32
    %dma_start3A_164 = arith.constant 0 : i32
    %dma_start3A_165 = tpu.memref_slice %arg35[%dma_start3A_163, %dma_start3A_164] : memref<10000x136xf32, #tpu.memory_space<vmem_shared>> -> memref<10000x136xf32, #tpu.memory_space<vmem_shared>>
    tpu.enqueue_indirect_dma source(%arg19 : memref<80x136xf32, #tpu.memory_space<vmem>>) target(%dma_start3A_165 : memref<10000x136xf32, #tpu.memory_space<vmem_shared>>) offsets(%arg15 : memref<80xi32, #tpu.memory_space<vmem>>) semaphore(%arg27 : memref<!tpu.dma_semaphore, #tpu.memory_space<semaphore_mem>>) {add = true}
    %dma_wait3A_166 = arith.constant 0 : i32
    %dma_wait3A_167 = arith.constant 0 : i32
    %dma_wait3A_168 = tpu.memref_slice %arg35[%dma_wait3A_166, %dma_wait3A_167] : memref<10000x136xf32, #tpu.memory_space<vmem_shared>> -> memref<10000x136xf32, #tpu.memory_space<vmem_shared>>
    tpu.wait_indirect_dma semaphore(%arg27 : memref<!tpu.dma_semaphore, #tpu.memory_space<semaphore_mem>>) src(%arg19 : memref<80x136xf32, #tpu.memory_space<vmem>>) dst(%dma_wait3A_168 : memref<10000x136xf32, #tpu.memory_space<vmem_shared>>)
    %dma_start3A_169 = arith.constant 19920 : i32
    %dma_start3A_170 = tpu.memref_slice %arg3[%arg0, %arg1, %dma_start3A_169] : memref<2x16x20000xi32, #tpu.memory_space<hbm>> -> memref<1x1x80xi32, #tpu.memory_space<hbm>>
    %dma_start3A_171 = tpu.memref_squeeze %dma_start3A_170 : memref<1x1x80xi32, #tpu.memory_space<hbm>> -> memref<80xi32, #tpu.memory_space<hbm>>
    %dma_start3A_172 = arith.constant 19920 : i32
    %dma_start3A_173 = tpu.memref_slice %arg3[%arg0, %arg1, %dma_start3A_172] : memref<2x16x20000xi32, #tpu.memory_space<hbm>> -> memref<1x1x80xi32, #tpu.memory_space<hbm>>
    %dma_start3A_174 = tpu.memref_squeeze %dma_start3A_173 : memref<1x1x80xi32, #tpu.memory_space<hbm>> -> memref<80xi32, #tpu.memory_space<hbm>>
    tpu.enqueue_dma source(%dma_start3A_174 : memref<80xi32, #tpu.memory_space<hbm>>) target(%arg8 : memref<80xi32, #tpu.memory_space<vmem>>) target_semaphore(%arg32 : memref<!tpu.dma_semaphore, #tpu.memory_space<semaphore_mem>>)
    %dma_wait3A_175 = arith.constant 19920 : i32
    %dma_wait3A_176 = tpu.memref_slice %arg3[%arg0, %arg1, %dma_wait3A_175] : memref<2x16x20000xi32, #tpu.memory_space<hbm>> -> memref<1x1x80xi32, #tpu.memory_space<hbm>>
    %dma_wait3A_177 = tpu.memref_squeeze %dma_wait3A_176 : memref<1x1x80xi32, #tpu.memory_space<hbm>> -> memref<80xi32, #tpu.memory_space<hbm>>
    %dma_wait3A_178 = arith.constant 19920 : i32
    %dma_wait3A_179 = tpu.memref_slice %arg3[%arg0, %arg1, %dma_wait3A_178] : memref<2x16x20000xi32, #tpu.memory_space<hbm>> -> memref<1x1x80xi32, #tpu.memory_space<hbm>>
    %dma_wait3A_180 = tpu.memref_squeeze %dma_wait3A_179 : memref<1x1x80xi32, #tpu.memory_space<hbm>> -> memref<80xi32, #tpu.memory_space<hbm>>
    tpu.wait_dma2 semaphore(%arg32 : memref<!tpu.dma_semaphore, #tpu.memory_space<semaphore_mem>>) src(%dma_wait3A_180 : memref<80xi32, #tpu.memory_space<hbm>>) dst(%arg8 : memref<80xi32, #tpu.memory_space<vmem>>)
    %get3A_181 = arith.constant 0 : index
    %get3A_182 = tpu.vector_load %arg8[%get3A_181] {strides = array<i32>} : memref<80xi32, #tpu.memory_space<vmem>>, vector<16xi32>,
    %get3A_183 = vector.shape_cast %get3A_182 : vector<16xi32> to vector<16xi32>
    %and3A_184 = arith.constant 65535 : i32
    %and3A_185 = vector.broadcast %and3A_184 : i32 to vector<16xi32>
    %and3A_186 = arith.andi %get3A_183, %and3A_185 : vector<16xi32>
    %swap3A_187 = arith.constant 0 : index
    %swap3A_188 = tpu.vector_load %arg12[%swap3A_187] {strides = array<i32>} : memref<80xi32, #tpu.memory_space<vmem>>, vector<16xi32>,
    %swap3A_189 = vector.shape_cast %swap3A_188 : vector<16xi32> to vector<16xi32>
    %swap3A_190 = vector.shape_cast %and3A_186 : vector<16xi32> to vector<16xi32>
    tpu.vector_store %arg12[%swap3A_187], %swap3A_190 {strides = array<i32>} : memref<80xi32, #tpu.memory_space<vmem>>, vector<16xi32>,
    %shift_right_logical3A_191 = arith.constant 16 : i32
    %shift_right_logical3A_192 = vector.broadcast %shift_right_logical3A_191 : i32 to vector<16xi32>
    %shift_right_logical3A_193 = arith.shrui %get3A_183, %shift_right_logical3A_192 : vector<16xi32>
    %swap3A_194 = arith.constant 0 : index
    %swap3A_195 = tpu.vector_load %arg16[%swap3A_194] {strides = array<i32>} : memref<80xi32, #tpu.memory_space<vmem>>, vector<16xi32>,
    %swap3A_196 = vector.shape_cast %swap3A_195 : vector<16xi32> to vector<16xi32>
    %swap3A_197 = vector.shape_cast %shift_right_logical3A_193 : vector<16xi32> to vector<16xi32>
    tpu.vector_store %arg16[%swap3A_194], %swap3A_197 {strides = array<i32>} : memref<80xi32, #tpu.memory_space<vmem>>, vector<16xi32>,
    %get3A_198 = arith.constant 16 : index
    %get3A_199 = tpu.vector_load %arg8[%get3A_198] {strides = array<i32>} : memref<80xi32, #tpu.memory_space<vmem>>, vector<16xi32>,
    %get3A_200 = vector.shape_cast %get3A_199 : vector<16xi32> to vector<16xi32>
    %and3A_201 = arith.constant 65535 : i32
    %and3A_202 = vector.broadcast %and3A_201 : i32 to vector<16xi32>
    %and3A_203 = arith.andi %get3A_200, %and3A_202 : vector<16xi32>
    %swap3A_204 = arith.constant 16 : index
    %swap3A_205 = tpu.vector_load %arg12[%swap3A_204] {strides = array<i32>} : memref<80xi32, #tpu.memory_space<vmem>>, vector<16xi32>,
    %swap3A_206 = vector.shape_cast %swap3A_205 : vector<16xi32> to vector<16xi32>
    %swap3A_207 = vector.shape_cast %and3A_203 : vector<16xi32> to vector<16xi32>
    tpu.vector_store %arg12[%swap3A_204], %swap3A_207 {strides = array<i32>} : memref<80xi32, #tpu.memory_space<vmem>>, vector<16xi32>,
    %shift_right_logical3A_208 = arith.constant 16 : i32
    %shift_right_logical3A_209 = vector.broadcast %shift_right_logical3A_208 : i32 to vector<16xi32>
    %shift_right_logical3A_210 = arith.shrui %get3A_200, %shift_right_logical3A_209 : vector<16xi32>
    %swap3A_211 = arith.constant 16 : index
    %swap3A_212 = tpu.vector_load %arg16[%swap3A_211] {strides = array<i32>} : memref<80xi32, #tpu.memory_space<vmem>>, vector<16xi32>,
    %swap3A_213 = vector.shape_cast %swap3A_212 : vector<16xi32> to vector<16xi32>
    %swap3A_214 = vector.shape_cast %shift_right_logical3A_210 : vector<16xi32> to vector<16xi32>
    tpu.vector_store %arg16[%swap3A_211], %swap3A_214 {strides = array<i32>} : memref<80xi32, #tpu.memory_space<vmem>>, vector<16xi32>,
    %get3A_215 = arith.constant 32 : index
    %get3A_216 = tpu.vector_load %arg8[%get3A_215] {strides = array<i32>} : memref<80xi32, #tpu.memory_space<vmem>>, vector<16xi32>,
    %get3A_217 = vector.shape_cast %get3A_216 : vector<16xi32> to vector<16xi32>
    %and3A_218 = arith.constant 65535 : i32
    %and3A_219 = vector.broadcast %and3A_218 : i32 to vector<16xi32>
    %and3A_220 = arith.andi %get3A_217, %and3A_219 : vector<16xi32>
    %swap3A_221 = arith.constant 32 : index
    %swap3A_222 = tpu.vector_load %arg12[%swap3A_221] {strides = array<i32>} : memref<80xi32, #tpu.memory_space<vmem>>, vector<16xi32>,
    %swap3A_223 = vector.shape_cast %swap3A_222 : vector<16xi32> to vector<16xi32>
    %swap3A_224 = vector.shape_cast %and3A_220 : vector<16xi32> to vector<16xi32>
    tpu.vector_store %arg12[%swap3A_221], %swap3A_224 {strides = array<i32>} : memref<80xi32, #tpu.memory_space<vmem>>, vector<16xi32>,
    %shift_right_logical3A_225 = arith.constant 16 : i32
    %shift_right_logical3A_226 = vector.broadcast %shift_right_logical3A_225 : i32 to vector<16xi32>
    %shift_right_logical3A_227 = arith.shrui %get3A_217, %shift_right_logical3A_226 : vector<16xi32>
    %swap3A_228 = arith.constant 32 : index
    %swap3A_229 = tpu.vector_load %arg16[%swap3A_228] {strides = array<i32>} : memref<80xi32, #tpu.memory_space<vmem>>, vector<16xi32>,
    %swap3A_230 = vector.shape_cast %swap3A_229 : vector<16xi32> to vector<16xi32>
    %swap3A_231 = vector.shape_cast %shift_right_logical3A_227 : vector<16xi32> to vector<16xi32>
    tpu.vector_store %arg16[%swap3A_228], %swap3A_231 {strides = array<i32>} : memref<80xi32, #tpu.memory_space<vmem>>, vector<16xi32>,
    %get3A_232 = arith.constant 48 : index
    %get3A_233 = tpu.vector_load %arg8[%get3A_232] {strides = array<i32>} : memref<80xi32, #tpu.memory_space<vmem>>, vector<16xi32>,
    %get3A_234 = vector.shape_cast %get3A_233 : vector<16xi32> to vector<16xi32>
    %and3A_235 = arith.constant 65535 : i32
    %and3A_236 = vector.broadcast %and3A_235 : i32 to vector<16xi32>
    %and3A_237 = arith.andi %get3A_234, %and3A_236 : vector<16xi32>
    %swap3A_238 = arith.constant 48 : index
    %swap3A_239 = tpu.vector_load %arg12[%swap3A_238] {strides = array<i32>} : memref<80xi32, #tpu.memory_space<vmem>>, vector<16xi32>,
    %swap3A_240 = vector.shape_cast %swap3A_239 : vector<16xi32> to vector<16xi32>
    %swap3A_241 = vector.shape_cast %and3A_237 : vector<16xi32> to vector<16xi32>
    tpu.vector_store %arg12[%swap3A_238], %swap3A_241 {strides = array<i32>} : memref<80xi32, #tpu.memory_space<vmem>>, vector<16xi32>,
    %shift_right_logical3A_242 = arith.constant 16 : i32
    %shift_right_logical3A_243 = vector.broadcast %shift_right_logical3A_242 : i32 to vector<16xi32>
    %shift_right_logical3A_244 = arith.shrui %get3A_234, %shift_right_logical3A_243 : vector<16xi32>
    %swap3A_245 = arith.constant 48 : index
    %swap3A_246 = tpu.vector_load %arg16[%swap3A_245] {strides = array<i32>} : memref<80xi32, #tpu.memory_space<vmem>>, vector<16xi32>,
    %swap3A_247 = vector.shape_cast %swap3A_246 : vector<16xi32> to vector<16xi32>
    %swap3A_248 = vector.shape_cast %shift_right_logical3A_244 : vector<16xi32> to vector<16xi32>
    tpu.vector_store %arg16[%swap3A_245], %swap3A_248 {strides = array<i32>} : memref<80xi32, #tpu.memory_space<vmem>>, vector<16xi32>,
    %get3A_249 = arith.constant 64 : index
    %get3A_250 = tpu.vector_load %arg8[%get3A_249] {strides = array<i32>} : memref<80xi32, #tpu.memory_space<vmem>>, vector<16xi32>,
    %get3A_251 = vector.shape_cast %get3A_250 : vector<16xi32> to vector<16xi32>
    %and3A_252 = arith.constant 65535 : i32
    %and3A_253 = vector.broadcast %and3A_252 : i32 to vector<16xi32>
    %and3A_254 = arith.andi %get3A_251, %and3A_253 : vector<16xi32>
    %swap3A_255 = arith.constant 64 : index
    %swap3A_256 = tpu.vector_load %arg12[%swap3A_255] {strides = array<i32>} : memref<80xi32, #tpu.memory_space<vmem>>, vector<16xi32>,
    %swap3A_257 = vector.shape_cast %swap3A_256 : vector<16xi32> to vector<16xi32>
    %swap3A_258 = vector.shape_cast %and3A_254 : vector<16xi32> to vector<16xi32>
    tpu.vector_store %arg12[%swap3A_255], %swap3A_258 {strides = array<i32>} : memref<80xi32, #tpu.memory_space<vmem>>, vector<16xi32>,
    %shift_right_logical3A_259 = arith.constant 16 : i32
    %shift_right_logical3A_260 = vector.broadcast %shift_right_logical3A_259 : i32 to vector<16xi32>
    %shift_right_logical3A_261 = arith.shrui %get3A_251, %shift_right_logical3A_260 : vector<16xi32>
    %swap3A_262 = arith.constant 64 : index
    %swap3A_263 = tpu.vector_load %arg16[%swap3A_262] {strides = array<i32>} : memref<80xi32, #tpu.memory_space<vmem>>, vector<16xi32>,
    %swap3A_264 = vector.shape_cast %swap3A_263 : vector<16xi32> to vector<16xi32>
    %swap3A_265 = vector.shape_cast %shift_right_logical3A_261 : vector<16xi32> to vector<16xi32>
    tpu.vector_store %arg16[%swap3A_262], %swap3A_265 {strides = array<i32>} : memref<80xi32, #tpu.memory_space<vmem>>, vector<16xi32>,
    %dma_start3A_266 = arith.constant 0 : i32
    %dma_start3A_267 = arith.constant 0 : i32
    %dma_start3A_268 = tpu.memref_slice %arg2[%dma_start3A_266, %dma_start3A_267] : memref<10000x136xf32, #tpu.memory_space<hbm>> -> memref<10000x136xf32, #tpu.memory_space<hbm>>
    tpu.enqueue_indirect_dma source(%dma_start3A_268 : memref<10000x136xf32, #tpu.memory_space<hbm>>) target(%arg20 : memref<80x136xf32, #tpu.memory_space<vmem>>) offsets(%arg12 : memref<80xi32, #tpu.memory_space<vmem>>) semaphore(%arg24 : memref<!tpu.dma_semaphore, #tpu.memory_space<semaphore_mem>>)
    %dma_wait3A_269 = arith.constant 0 : i32
    %dma_wait3A_270 = arith.constant 0 : i32
    %dma_wait3A_271 = tpu.memref_slice %arg2[%dma_wait3A_269, %dma_wait3A_270] : memref<10000x136xf32, #tpu.memory_space<hbm>> -> memref<10000x136xf32, #tpu.memory_space<hbm>>
    tpu.wait_indirect_dma semaphore(%arg24 : memref<!tpu.dma_semaphore, #tpu.memory_space<semaphore_mem>>) src(%dma_wait3A_271 : memref<10000x136xf32, #tpu.memory_space<hbm>>) dst(%arg20 : memref<80x136xf32, #tpu.memory_space<vmem>>)
    %dma_start3A_272 = arith.constant 0 : i32
    %dma_start3A_273 = arith.constant 0 : i32
    %dma_start3A_274 = tpu.memref_slice %arg35[%dma_start3A_272, %dma_start3A_273] : memref<10000x136xf32, #tpu.memory_space<vmem_shared>> -> memref<10000x136xf32, #tpu.memory_space<vmem_shared>>
    tpu.enqueue_indirect_dma source(%arg20 : memref<80x136xf32, #tpu.memory_space<vmem>>) target(%dma_start3A_274 : memref<10000x136xf32, #tpu.memory_space<vmem_shared>>) offsets(%arg16 : memref<80xi32, #tpu.memory_space<vmem>>) semaphore(%arg28 : memref<!tpu.dma_semaphore, #tpu.memory_space<semaphore_mem>>) {add = true}
    %dma_wait3A_275 = arith.constant 0 : i32
    %dma_wait3A_276 = arith.constant 0 : i32
    %dma_wait3A_277 = tpu.memref_slice %arg35[%dma_wait3A_275, %dma_wait3A_276] : memref<10000x136xf32, #tpu.memory_space<vmem_shared>> -> memref<10000x136xf32, #tpu.memory_space<vmem_shared>>
    tpu.wait_indirect_dma semaphore(%arg28 : memref<!tpu.dma_semaphore, #tpu.memory_space<semaphore_mem>>) src(%arg20 : memref<80x136xf32, #tpu.memory_space<vmem>>) dst(%dma_wait3A_277 : memref<10000x136xf32, #tpu.memory_space<vmem_shared>>)
    %barrier3A_278 = arith.constant 0 : index
    tpu.barrier barrier_id(%barrier3A_278)
    %eq3A = arith.constant 0 : i32
    %eq3A_279 = arith.cmpi eq, %arg0, %eq3A : i32
    %convert_element_type3A = arith.extui %eq3A_279 : i1 to i32
    %cond3A = arith.constant 0 : i32
    %cond3A_280 = arith.cmpi ne, %convert_element_type3A, %cond3A : i32
    scf.if %cond3A_280 {
      "tpu.region"() ({
        %run_scoped3A = tpu.sem_alloc : memref<!tpu.dma_semaphore, #tpu.memory_space<semaphore_mem>>
        %dma_start3A_286 = arith.constant 0 : i32
        %dma_start3A_287 = tpu.memref_slice %arg5[%mul3A_0, %dma_start3A_286] : memref<10000x136xf32, #tpu.memory_space<hbm>> -> memref<625x136xf32, #tpu.memory_space<hbm>>
        %dma_start3A_288 = arith.constant 0 : i32
        %dma_start3A_289 = tpu.memref_slice %arg35[%mul3A_0, %dma_start3A_288] : memref<10000x136xf32, #tpu.memory_space<vmem_shared>> -> memref<625x136xf32, #tpu.memory_space<vmem_shared>>
        tpu.enqueue_dma source(%dma_start3A_289 : memref<625x136xf32, #tpu.memory_space<vmem_shared>>) target(%dma_start3A_287 : memref<625x136xf32, #tpu.memory_space<hbm>>) target_semaphore(%run_scoped3A : memref<!tpu.dma_semaphore, #tpu.memory_space<semaphore_mem>>)
        %dma_wait3A_290 = arith.constant 0 : i32
        %dma_wait3A_291 = tpu.memref_slice %arg5[%mul3A_0, %dma_wait3A_290] : memref<10000x136xf32, #tpu.memory_space<hbm>> -> memref<625x136xf32, #tpu.memory_space<hbm>>
        %dma_wait3A_292 = arith.constant 0 : i32
        %dma_wait3A_293 = tpu.memref_slice %arg35[%mul3A_0, %dma_wait3A_292] : memref<10000x136xf32, #tpu.memory_space<vmem_shared>> -> memref<625x136xf32, #tpu.memory_space<vmem_shared>>
        tpu.wait_dma2 semaphore(%run_scoped3A : memref<!tpu.dma_semaphore, #tpu.memory_space<semaphore_mem>>) src(%dma_wait3A_293 : memref<625x136xf32, #tpu.memory_space<vmem_shared>>) dst(%dma_wait3A_291 : memref<625x136xf32, #tpu.memory_space<hbm>>)
        tpu.yield
      }) : () -> ()
    } else {
    }
    %eq3A_281 = arith.constant 1 : i32
    %eq3A_282 = arith.cmpi eq, %arg0, %eq3A_281 : i32
    %convert_element_type3A_283 = arith.extui %eq3A_282 : i1 to i32
    %cond3A_284 = arith.constant 0 : i32
    %cond3A_285 = arith.cmpi ne, %convert_element_type3A_283, %cond3A_284 : i32
    scf.if %cond3A_285 {
      "tpu.region"() ({
        %run_scoped3A = tpu.sem_alloc : memref<!tpu.dma_semaphore, #tpu.memory_space<semaphore_mem>>
        %dma_start3A_286 = arith.constant 0 : i32
        %dma_start3A_287 = tpu.memref_slice %arg6[%mul3A_0, %dma_start3A_286] : memref<10000x136xf32, #tpu.memory_space<hbm>> -> memref<625x136xf32, #tpu.memory_space<hbm>>
        %dma_start3A_288 = arith.constant 0 : i32
        %dma_start3A_289 = tpu.memref_slice %arg35[%mul3A_0, %dma_start3A_288] : memref<10000x136xf32, #tpu.memory_space<vmem_shared>> -> memref<625x136xf32, #tpu.memory_space<vmem_shared>>
        tpu.enqueue_dma source(%dma_start3A_289 : memref<625x136xf32, #tpu.memory_space<vmem_shared>>) target(%dma_start3A_287 : memref<625x136xf32, #tpu.memory_space<hbm>>) target_semaphore(%run_scoped3A : memref<!tpu.dma_semaphore, #tpu.memory_space<semaphore_mem>>)
        %dma_wait3A_290 = arith.constant 0 : i32
        %dma_wait3A_291 = tpu.memref_slice %arg6[%mul3A_0, %dma_wait3A_290] : memref<10000x136xf32, #tpu.memory_space<hbm>> -> memref<625x136xf32, #tpu.memory_space<hbm>>
        %dma_wait3A_292 = arith.constant 0 : i32
        %dma_wait3A_293 = tpu.memref_slice %arg35[%mul3A_0, %dma_wait3A_292] : memref<10000x136xf32, #tpu.memory_space<vmem_shared>> -> memref<625x136xf32, #tpu.memory_space<vmem_shared>>
        tpu.wait_dma2 semaphore(%run_scoped3A : memref<!tpu.dma_semaphore, #tpu.memory_space<semaphore_mem>>) src(%dma_wait3A_293 : memref<625x136xf32, #tpu.memory_space<vmem_shared>>) dst(%dma_wait3A_291 : memref<625x136xf32, #tpu.memory_space<hbm>>)
        tpu.yield
      }) : () -> ()
    } else {
    }
    return
  }
}

module attributes {stable_mosaic.version = 14 : i64} {
  func.func @_tc_body(%arg0: i32, %arg1: memref<400x136xf32, #tpu.memory_space<vmem>>, %arg2: memref<400x136xf32, #tpu.memory_space<vmem>>, %arg3: memref<128x128xf32, #tpu.memory_space<vmem>>, %arg4: memref<128x128xf32, #tpu.memory_space<vmem>>, %arg5: memref<400x128xf32, #tpu.memory_space<vmem>>) attributes {dimension_semantics = [#tpu.dimension_semantics<arbitrary>], iteration_bounds = array<i64: 25>, scalar_prefetch = 0 : i64, scratch_operands = 0 : i64, tpu.core_type = #tpu.core_type<tc>, window_params = [{transform_indices = @transform_0, window_bounds = array<i64: 400, 136>}, {transform_indices = @transform_1, window_bounds = array<i64: 400, 136>}, {pipeline_mode = #tpu.pipeline_mode<synchronous>, transform_indices = @transform_2, window_bounds = array<i64: 128, 128>}, {pipeline_mode = #tpu.pipeline_mode<synchronous>, transform_indices = @transform_3, window_bounds = array<i64: 128, 128>}, {transform_indices = @transform_4, window_bounds = array<i64: 400, 128>}]} {
    %get3A = arith.constant 0 : index
    %get3A_0 = arith.constant 0 : index
    %get3A_1 = vector.load %arg1[%get3A, %get3A_0] : memref<400x136xf32, #tpu.memory_space<vmem>>, vector<400x136xf32>
    %get3A_2 = arith.constant 0 : index
    %get3A_3 = arith.constant 0 : index
    %get3A_4 = vector.load %arg2[%get3A_2, %get3A_3] : memref<400x136xf32, #tpu.memory_space<vmem>>, vector<400x136xf32>
    %slice3A = vector.extract_strided_slice %get3A_1 {offsets = [0, 128], sizes = [400, 1], strides = [1, 1]} : vector<400x136xf32> to vector<400x1xf32>
    %max3A = arith.constant 1.000000e+00 : f32
    %max3A_5 = vector.broadcast %max3A : f32 to vector<400x1xf32>
    %max3A_6 = arith.maximumf %slice3A, %max3A_5 : vector<400x1xf32>
    %div3A = arith.constant 5.000000e-01 : f32
    %div3A_7 = vector.broadcast %div3A : f32 to vector<400x1xf32>
    %div3A_8 = arith.divf %div3A_7, %max3A_6 : vector<400x1xf32>
    %slice3A_9 = vector.extract_strided_slice %get3A_4 {offsets = [0, 128], sizes = [400, 1], strides = [1, 1]} : vector<400x136xf32> to vector<400x1xf32>
    %max3A_10 = arith.constant 1.000000e+00 : f32
    %max3A_11 = vector.broadcast %max3A_10 : f32 to vector<400x1xf32>
    %max3A_12 = arith.maximumf %slice3A_9, %max3A_11 : vector<400x1xf32>
    %div3A_13 = arith.constant 5.000000e-01 : f32
    %div3A_14 = vector.broadcast %div3A_13 : f32 to vector<400x1xf32>
    %div3A_15 = arith.divf %div3A_14, %max3A_12 : vector<400x1xf32>
    %slice3A_16 = vector.extract_strided_slice %get3A_1 {offsets = [0, 0], sizes = [400, 128], strides = [1, 1]} : vector<400x136xf32> to vector<400x128xf32>
    %mul3A = vector.broadcast %div3A_8 : vector<400x1xf32> to vector<400x128xf32>
    %mul3A_17 = arith.mulf %slice3A_16, %mul3A : vector<400x128xf32>
    %get3A_18 = arith.constant 0 : index
    %get3A_19 = arith.constant 0 : index
    %get3A_20 = vector.load %arg3[%get3A_18, %get3A_19] : memref<128x128xf32, #tpu.memory_space<vmem>>, vector<128x128xf32>
    %dot_general3A = arith.constant dense<0.000000e+00> : vector<400x128xf32>
    %dot_general3A_21 = tpu.matmul %mul3A_17, %get3A_20, %dot_general3A {dimension_numbers = #tpu.dot_dimension_numbers<[1], [0], [0], [1], [0, 0, 1, 1], [], []>, precision = #tpu.contract_precision<fp32>, transpose_lhs_hint = false} : vector<400x128xf32>, vector<128x128xf32>, vector<400x128xf32> -> vector<400x128xf32>
    %slice3A_22 = vector.extract_strided_slice %get3A_4 {offsets = [0, 0], sizes = [400, 128], strides = [1, 1]} : vector<400x136xf32> to vector<400x128xf32>
    %mul3A_23 = vector.broadcast %div3A_15 : vector<400x1xf32> to vector<400x128xf32>
    %mul3A_24 = arith.mulf %slice3A_22, %mul3A_23 : vector<400x128xf32>
    %get3A_25 = arith.constant 0 : index
    %get3A_26 = arith.constant 0 : index
    %get3A_27 = vector.load %arg4[%get3A_25, %get3A_26] : memref<128x128xf32, #tpu.memory_space<vmem>>, vector<128x128xf32>
    %dot_general3A_28 = arith.constant dense<0.000000e+00> : vector<400x128xf32>
    %dot_general3A_29 = tpu.matmul %mul3A_24, %get3A_27, %dot_general3A_28 {dimension_numbers = #tpu.dot_dimension_numbers<[1], [0], [0], [1], [0, 0, 1, 1], [], []>, precision = #tpu.contract_precision<fp32>, transpose_lhs_hint = false} : vector<400x128xf32>, vector<128x128xf32>, vector<400x128xf32> -> vector<400x128xf32>
    %add3A = arith.addf %dot_general3A_21, %dot_general3A_29 : vector<400x128xf32>
    %swap3A = arith.constant 0 : index
    %swap3A_30 = arith.constant 0 : index
    %swap3A_31 = vector.load %arg5[%swap3A, %swap3A_30] : memref<400x128xf32, #tpu.memory_space<vmem>>, vector<400x128xf32>
    tpu.vector_store %arg5[%swap3A, %swap3A_30], %add3A {strides = array<i32>} : memref<400x128xf32, #tpu.memory_space<vmem>>, vector<400x128xf32>,
    return
  }
  func.func @transform_0(%arg0: i32) -> (i32, i32) {
    %c0_i32 = arith.constant 0 : i32
    %c0_i32_0 = arith.constant 0 : i32
    return %arg0, %c0_i32 : i32, i32
  }
  func.func @transform_1(%arg0: i32) -> (i32, i32) {
    %c0_i32 = arith.constant 0 : i32
    %c0_i32_0 = arith.constant 0 : i32
    return %arg0, %c0_i32 : i32, i32
  }
  func.func @transform_2(%arg0: i32) -> (i32, i32) {
    %c0_i32 = arith.constant 0 : i32
    %c0_i32_0 = arith.constant 0 : i32
    %c0_i32_1 = arith.constant 0 : i32
    return %c0_i32, %c0_i32_0 : i32, i32
  }
  func.func @transform_3(%arg0: i32) -> (i32, i32) {
    %c0_i32 = arith.constant 0 : i32
    %c0_i32_0 = arith.constant 0 : i32
    %c0_i32_1 = arith.constant 0 : i32
    return %c0_i32, %c0_i32_0 : i32, i32
  }
  func.func @transform_4(%arg0: i32) -> (i32, i32) {
    %c0_i32 = arith.constant 0 : i32
    %c0_i32_0 = arith.constant 0 : i32
    return %arg0, %c0_i32 : i32, i32
  }
}

</mosaic_0001>

<sc_bundles>
// kernel: kernel.4.cloned.1.call-start
scs
__scs_entry_jumppad:
0x0: {  	(pc) =	sbr.rel $0x88, $3  }
0x1: {  	(tag) =	ssettag $0x0;
	lr =	simm.s32 $0x1  }
0x2: {  	[smem:$0x3F9C] =	sst lr;
	_ =	strace $0xD0000000  }
0x3: {  	_ = 	snop  }
0x4: {  	_ = 	snop  }
0x5: {  	_ = 	snop  }
0x6: {  	_ = 	snop  }
0x7: {  	_ = 	snop  }
__scs_overlays_trampoline_lowered:
0x8: {  	[smem:$0x3FAB] =	sst s0  }
0x9: {  	[smem:$0x3FAC] =	sst s1  }
0xa: {  	[smem:$0x3FAD] =	sst s2  }
0xb: {  	[smem:$0x3FAE] =	sst s3  }
0xc: {  	[smem:$0x3FAF] =	sst s4  }
0xd: {  	[smem:$0x3FB0] =	sst s5  }
0xe: {  	[smem:$0x3FB1] =	sst s6  }
0xf: {  	[smem:$0x3FB2] =	sst s7  }
0x10: {  	[smem:$0x3FB3] =	sst s8  }
0x11: {  	[smem:$0x3FB4] =	sst s9;
	s0 =	simm.s32 @!p0 $0x0  }
0x12: {  	s1 =	sld [smem:$0x3F9A];
	s0 =	simm.s32 @p0 $0x1  }
0x13: {  	[smem:$0x3FB5] =	sst s0;
	s0 =	simm.s32 @!p1 $0x0  }
0x14: {  	s2 =	sld [smem:$0x3F99];
	s0 =	simm.s32 @p1 $0x1  }
0x15: {  	[smem:$0x3FB6] =	sst s0;
	s0 =	simm.s32 @!p2 $0x0  }
0x16: {  	s3 =	sld [smem:$0x3FDB];
	s0 =	simm.s32 @p2 $0x1  }
0x17: {  	s4 =	simm.s32 $0x1BF5;
	[smem:$0x3FB8] =	sst s0  }
0x18: {  	s0 =	sld [smem:$0x3F9B];
	_ =	swait.ge [sflag:s4], $0x0  }
0x19: {  	s7 =	sld [smem:$0x3F9C]  }
0x1a: {  	s8 =	sadd.s32 $0xFFFFE003, lr  }
0x1b: {  	s9 =	sadd.s32 $0xFFFFFEF7, lr;
	s5 =	simm.s32 $0xFFFFFFFF;
	p2 =	slt.u32 s8, $0xFFFFF086  }
0x1c: {  	p1 =	slt.u32 s9, $0xF7A;
	s5 =	simm.s32 @!p2 $0x0  }
0x1d: {  	s5 =	simm.s32 @p1 $0x1;
	p0 =	seq.s32 s7, s2  }
0x1e: {  	s7 =	smul.u32 @!p0 $0xF7A, s2;
	p2 =	seq.s32 @!p0 s5, $0x0  }
0x1f: {  	s9 =	smul.u32 $0xF7A, s1;
	s8 =	simm.s32 @!p0 $0x1BF5;
	p2 =	por !p2, p0  }
0x20: {  	[sflag:s8] =	ssyncset.s32 @!p0 $0xFFFFF086;
	s6 =	sadd.s32 @!p0 s3, s7;
	s7 =	simm.s32 @!p0 $0x108  }
0x21: {  	s3 =	sadd.s32 s3, s9;
	s6 =	sadd.s32 @!p0 $0x88, s6;
	s7 =	simm.s32 @p2 $0x1082  }
0x22: {  	[simem:s7], [sflag:s8] =	dma.local @!p0 [hbm:s6], $0xF7A  }
0x23: {  	s9 =	sor.u32 $0xD0000000, s2;
	s6 =	simm.s32 $0x108;
	_ =	swait.ge @!p0 [sflag:s8], $0x0  }
0x24: {  	s3 =	sadd.s32 $0x88, s3;
	s6 =	simm.s32 @!p1 $0x1082;
	[sflag:s4] =	ssyncset.s32 $0xFFFFF086  }
0x25: {  	[simem:s6], [sflag:s4] =	dma.local [hbm:s3], $0xF7A  }
0x26: {  	[smem:$0x3F9C] =	sst s1;
	(tag) =	ssettag s2;
	_ =	strace s9  }
0x27: {  	s1 =	sld [smem:$0x3FAC]  }
0x28: {  	s2 =	sld [smem:$0x3FAD]  }
0x29: {  	s4 =	sld [smem:$0x3FAF]  }
0x2a: {  	p0 =	seq.s32 s5, $0x0;
	s5 =	sld [smem:$0x3FB0]  }
0x2b: {  	s6 =	sld [smem:$0x3FB1]  }
0x2c: {  	s7 =	sld [smem:$0x3FB2]  }
0x2d: {  	s3 =	simm.s32 $0x108;
	s8 =	sld [smem:$0x3FB3]  }
0x2e: {  	s3 =	simm.s32 @!p0 $0x1082;
	s9 =	sld [smem:$0x3FB4]  }
0x2f: {  	lr =	sadd.s32 s0, s3;
	s0 =	sld [smem:$0x3FAB]  }
0x30: {  	s3 =	sld [smem:$0x3FAE]  }
0x31: {  	[smem:$0x3FB7] =	sst s10  }
0x32: {  	s10 =	sld [smem:$0x3FB5];
	_ =	sdelay $0x3  }
0x33: {  	p0 =	seq.s32 s10, $0x1;
	s10 =	sld [smem:$0x3FB7];
	_ =	sdelay $0x3  }
0x34: {  	[smem:$0x3FB7] =	sst s10  }
0x35: {  	s10 =	sld [smem:$0x3FB6];
	_ =	sdelay $0x3  }
0x36: {  	p1 =	seq.s32 s10, $0x1;
	s10 =	sld [smem:$0x3FB7];
	_ =	sdelay $0x3  }
0x37: {  	[smem:$0x3FB7] =	sst s10  }
0x38: {  	s10 =	sld [smem:$0x3FB8]  }
0x39: {  	_ = 	snop;
	(pc) =	sbr.ind lr, $3  }
0x3a: {  	_ = 	snop  }
0x3b: {  	_ = 	snop  }
0x3c: {  	p2 =	seq.s32 s10, $0x1;
	s10 =	sld [smem:$0x3FB7]  }
0x3d: {  	_ =	shalt  }
0x3e: {  	_ =	shalt  }
0x3f: {  	_ =	shalt  }
0x40: {  	_ =	shalt  }
0x41: {  	_ =	shalt  }
0x42: {  	_ =	shalt  }
0x43: {  	_ =	shalt  }
0x44: {  	_ =	shalt  }
0x45: {  	_ =	shalt  }
0x46: {  	_ =	shalt  }
0x47: {  	_ =	shalt  }
0x48: {  	_ =	shalt  }
0x49: {  	_ =	shalt  }
0x4a: {  	_ =	shalt  }
0x4b: {  	_ =	shalt  }
0x4c: {  	_ =	shalt  }
0x4d: {  	_ =	shalt  }
0x4e: {  	_ =	shalt  }
0x4f: {  	_ =	shalt  }
0x50: {  	_ =	shalt  }
0x51: {  	_ =	shalt  }
0x52: {  	_ =	shalt  }
0x53: {  	_ =	shalt  }
0x54: {  	_ =	shalt  }
0x55: {  	_ =	shalt  }
0x56: {  	_ =	shalt  }
0x57: {  	_ =	shalt  }
0x58: {  	_ =	shalt  }
0x59: {  	_ =	shalt  }
0x5a: {  	_ =	shalt  }
0x5b: {  	_ =	shalt  }
0x5c: {  	_ =	shalt  }
0x5d: {  	_ =	shalt  }
0x5e: {  	_ =	shalt  }
0x5f: {  	_ =	shalt  }
0x60: {  	_ =	shalt  }
0x61: {  	_ =	shalt  }
0x62: {  	_ =	shalt  }
0x63: {  	_ =	shalt  }
0x64: {  	_ =	shalt  }
0x65: {  	_ =	shalt  }
0x66: {  	_ =	shalt  }
0x67: {  	_ =	shalt  }
0x68: {  	_ =	shalt  }
0x69: {  	_ =	shalt  }
0x6a: {  	_ =	shalt  }
0x6b: {  	_ =	shalt  }
0x6c: {  	_ =	shalt  }
0x6d: {  	_ =	shalt  }
0x6e: {  	_ =	shalt  }
0x6f: {  	_ =	shalt  }
0x70: {  	_ =	shalt  }
0x71: {  	_ =	shalt  }
0x72: {  	_ =	shalt  }
0x73: {  	_ =	shalt  }
0x74: {  	_ =	shalt  }
0x75: {  	_ =	shalt  }
0x76: {  	_ =	shalt  }
0x77: {  	_ =	shalt  }
0x78: {  	_ =	shalt  }
0x79: {  	_ =	shalt  }
0x7a: {  	_ =	shalt  }
0x7b: {  	_ =	shalt  }
0x7c: {  	_ =	shalt  }
0x7d: {  	_ =	shalt  }
0x7e: {  	_ =	shalt  }
0x7f: {  	_ =	shalt  }
0x80: {  	_ =	shalt  }
0x81: {  	_ =	shalt  }
0x82: {  	_ =	shalt  }
0x83: {  	_ =	shalt  }
0x84: {  	_ =	shalt  }
0x85: {  	_ =	shalt  }
0x86: {  	_ =	shalt  }
0x87: {  	_ =	shalt  }
.Lfunc_end0:
.L_simem_size_0:
called_computation_lowered:
.L_overlay_start_0:
0x88: {  	s2 =	sld [smem:$0x3FD9]  }
0x89: {  	s3 =	sld [smem:$0x3FFE];
	_ =	sdelay $0x1  }
0x8a: {  	s1 =	srdreg.scid  }
0x8b: {  	s0 =	sand.u32 $0x1, s1  }
0x8c: {  	s17 =	sshll.u32 s0, $0xA;
	s2 =	sadd.s32 s3, s2  }
0x8d: {  	s2 =	sadd.s32 s2, s17  }
0x8e: {  	[smem:$0x3FC3] =	sst s2  }
0x8f: {  	_ = 	snop  }
0x90: {  	s2 =	sld [smem:$0x3FD0];
	(tm) =	ssettm $0x1  }
0x91: {  	s18 =	sld [smem:$0x3FFB];
	_ =	sdelay $0x3  }
0x92: {  	_ =	strace s18  }
0x93: {  	s3 =	sld [smem:$0x3FFC];
	_ =	sdelay $0x3  }
0x94: {  	_ =	strace s3  }
0x95: {  	s3 =	sld [smem:$0x3FFD];
	_ =	sdelay $0x3  }
0x96: {  	_ =	strace s3  }
0x97: {  	_ =	strace $0x8FFFFFFF  }
0x98: {  	s19 =	sld [smem:$0x3FDB];
	_ =	sdelay $0x1  }
0x99: {  	s4 =	simm.s32 $_scs_section_size  }
0x9a: {  	s5 =	simm.s32 $_size__tile_overlayer_lowered;
	s6 =	simm.s32 $_tile_overlayer_lowered  }
0x9b: {  	s22 =	simm.s32 $0x1BFF;
	s21 =	sshll.u32 s6, $0x1;
	s3 =	sadd.s32 s4, s19  }
0x9c: {  	s7 =	simm.s32 $0x0;
	s20 =	sshll.u32 s5, $0x1;
	s5 =	sadd.s32 s21, s3  }
0x9d: {  	[timem:s7], [sflag:s22] =	dma.local [hbm:s5], s20  }
0x9e: {  	_ =	swait.ge [sflag:s22], s20  }
0x9f: {  	s4 =	ssub.s32 $0x0, s20;
	[sflag:s22] =	ssyncset.done $0x0  }
0xa0: {  	[sflag:s22] =	ssyncadd.s32 s4;
	_ =	sdelay $0x1  }
0xa1: {  	s23 =	simm.s32 $0x1B8B  }
0xa2: {  	_ =	swait.ge [sflag:s23], $0x1  }
0xa3: {  	[sflag:s23] =	ssyncset.done $0x0  }
0xa4: {  	s25 =	simm.s32 $0x1B8E;
	s24 =	sld [smem:$0x3FFE];
	[sflag:s23] =	ssyncadd.s32 $0xFFFFFFFF  }
0xa5: {  	s26 =	simm.s32 $execute0_lowered;
	[smem:$0x3FD2] =	sst s25  }
0xa6: {  	s5 =	sshll.u32 s26, $0x1;
	_ =	strace $0x80000046;
	[dreg:$0x1] =	wrdreg $0xFFFFFFFF  }
0xa7: {  	s28 =	simm.s32 $_size_execute0_lowered;
	s3 =	sadd.s32 s3, s5;
	[dreg:$0x0] =	wrdreg $0x0  }
0xa8: {  	s5 =	sshll.u32 s28, $0x1;
	[dreg:$0x2] =	wrdreg s3  }
0xa9: {  	[dreg:$0x3] =	wrdreg s5  }
0xaa: {  	[dreg:$0x4] =	wrdreg $0xC0  }
0xab: {  	_ =	task [dreg:s7], $0x5FFFF  }
0xac: {  	[dreg:$0x1] =	wrdreg $0xFFFFFFFF  }
0xad: {  	[dreg:$0x0] =	wrdreg $0x60  }
0xae: {  	[dreg:$0x2] =	wrdreg s24  }
0xaf: {  	[dreg:$0x3] =	wrdreg s2  }
0xb0: {  	[dreg:$0x4] =	wrdreg $0xADC00  }
0xb1: {  	[dreg:$0x5] =	wrdreg $0x9  }
0xb2: {  	_ =	task.clear_ibuf [dreg:s7], $0x6FFFF;
	_ =	strace $0x90000046  }
0xb3: {  	s29 =	simm.s32 $0x9;
	_ =	strace $0x80000048  }
0xb4: {  	_ =	swait.ge [sflag:s29], $0x1  }
0xb5: {  	[sflag:s29] =	ssyncadd.s32 $0xFFFFFFFF  }
0xb6: {  	_ =	strace $0x90000048  }
0xb7: {  	_ =	sfence  }
0xb8: {  	s30 =	sld [smem:$0x0];
	_ =	sdelay $0x2  }
0xb9: {  	s31 =	sshll.u32 s1, $0xD;
	s1 =	sshrl.u32 s1, $0x2  }
0xba: {  	s3 =	sand.u32 $0x4000, s31;
	s1 =	sadd.s32 s1, s30  }
0xbb: {  	s0 =	sor.u32 s3, s0;
	s1 =	sshll.u32 s1, $0x11  }
0xbc: {  	s0 =	sor.u32 s1, s0  }
0xbd: {  	s0 =	sadd.s32 $0x8F2B, s0  }
0xbe: {  	[sflag:s0] =	ssyncadd.remote.s32 $0x1  }
0xbf: {  	_ =	sfence.sel $0xFFFF  }
0xc0: {  	[dreg:$0x0] =	wrdreg $0xFFFFFFFF;
	(pc) =	sbr.abs _section_cstart, $3  }
0xc1: {  	[dreg:$0x1] =	wrdreg $0xFFFFFFFF  }
0xc2: {  	_ =	task.clear_ibuf [dreg:s7], $0x2FFFF;
	_ =	strace $0x9FFFFFFF  }
0xc3: {  	(tm) =	ssettm $0x7FFFFFFF  }
tec
execute0_lowered:
.L_overlay_start_1:
0x0: {  	(tag) =	ssettag $0x1  }
0x1: {  	s0 =	rddreg [dreg:$0x0]  }
0x2: {  	s1 =	rddreg [dreg:$0x1]  }
0x3: {  	s2 =	rddreg [dreg:$0x2];
	s3 =	srdreg.scid;
	s4 =	simm.s32 $0x0  }
0x4: {  	s10 =	stileid.u32;
	s23 =	simm.s32 $0x1E0;
	s24 =	simm.s32 $0x230  }
0x5: {  	s25 =	simm.s32 $0x320;
	s26 =	simm.s32 $0x370;
	s28 =	simm.s32 $0x190  }
0x6: {  	s29 =	simm.s32 $0x2E40;
	s30 =	simm.s32 $0xB;
	s31 =	simm.s32 $0x58C0  }
0x7: {  	s3 =	sand.u32 $0x1, s3;
	[smem:$0x7FF] =	sst s4;
	s7 =	smul.u32 $0x4E20, s10  }
0x8: {  	s5 =	sadd.s32 $0xE00, s0;
	s11 =	sadd.s32 $0x2A800, s0;
	s13 =	smul.u32 $0x14C08, s10  }
0x9: {  	s10 =	sshll.u32 s10, $0x6;
	_ =	strace $0x80000047;
	[dreg:$0xa] =	wrdreg s11  }
0xa: {  	s6 =	smul.u32 $0x4E200, s3;
	s8 =	ssub.s32 $0x2, s3;
	[dreg:$0x6] =	wrdreg s23  }
0xb: {  	p0 =	seq.s32 s3, $0x1;
	s3 =	simm.s32 $0x2D200;
	[dreg:$0x7] =	wrdreg s24  }
0xc: {  	s23 =	simm.s32 $0x9;
	[dreg:$0x8] =	wrdreg s25;
	s24 =	simm.s32 $0x140  }
0xd: {  	[dreg:$0x9] =	wrdreg s26;
	s25 =	simm.s32 $0x3C0;
	s26 =	simm.s32 $0xA  }
0xe: {  	s12 =	sshrl.u32 s8, $0x1;
	s16 =	sadd.s32 s13, s2;
	s6 =	sadd.s32 s7, s6  }
0xf: {  	s3 =	simm.s32 @!p0 $0x56C00;
	s7 =	ssub.s32 s8, s12;
	s11 =	sadd.s32 $0x1E0, s6  }
0x10: {  	s8 =	sshrl.u32 s13, $0x3;
	s17 =	sadd.s32 $0x230, s6;
	[dreg:$0x4] =	wrdreg s11  }
0x11: {  	s0 =	sadd.s32 s3, s0;
	s7 =	smax.u32 s7, $0x1;
	[dreg:$0x5] =	wrdreg s17  }
0x12: {  	s3 =	simm.s32 $0x8340;
	s0 =	sadd.s32 s0, s8;
	[dreg:$0x12] =	wrdreg s7  }
0x13: {  	s9 =	sshrl.u32 s6, $0x3;
	s22 =	sadd.s32 $0x140, s6;
	[dreg:$0x13] =	wrdreg s0  }
0x14: {  	s13 =	simm.s32 $0x4;
	s12 =	sadd.s32 s1, s9;
	[dreg:$0x15] =	wrdreg s22  }
0x15: {  	s20 =	sadd.s32 $0x190, s6;
	s9 =	sadd.s32 $0xA, s12;
	[dreg:$0xb] =	wrdreg s12  }
0x16: {  	s6 =	simm.s32 $0x1;
	s14 =	sadd.s32 $0x14, s12;
	[dreg:$0xc] =	wrdreg s9  }
0x17: {  	s8 =	simm.s32 $0x280;
	s15 =	sadd.s32 $0x1E, s12;
	[dreg:$0xd] =	wrdreg s14  }
0x18: {  	s21 =	sshrl.u32 s20, $0x3;
	s18 =	sadd.s32 $0x9B0, s12;
	[dreg:$0xe] =	wrdreg s15  }
0x19: {  	s20 =	simm.s32 $0xF0;
	s19 =	sadd.s32 $0x9BA, s12;
	[dreg:$0x10] =	wrdreg s18  }
0x1a: {  	s7 =	simm.s32 $0x0;
	s0 =	sadd.s32 s21, s1;
	[dreg:$0x11] =	wrdreg s19  }
0x1b: {  	s12 =	simm.s32 $0x3;
	s14 =	sor.u32 $0x1C0D, s10;
	[dreg:$0x14] =	wrdreg s0  }
0x1c: {  	s18 =	simm.s32 $0x50;
	s19 =	simm.s32 $0xA0;
	s15 =	sshrl.u32 s16, $0x3  }
0x1d: {  	s16 =	simm.s32 $0xD;
	s0 =	simm.s32 $0xC;
	[dreg:$0xf] =	wrdreg s14  }
0x1e: {  	s9 =	simm.s32 $0x2;
	s10 =	simm.s32 $0x2D0;
	[dreg:$0x16] =	wrdreg s15  }
.LBB2_1:
0x1f: {  	s11 =	rddreg [dreg:$0xb]  }
0x20: {  	s21 =	rddreg [dreg:$0xc]  }
0x21: {  	[tilespmem:s4], [sflag:$0x9] =	stream.linear.gather [hbm4b:s11+s4], $0x50, $0x38;
	[tilespmem:$0x1F9C8] =	vst v63  }
0x22: {  	s22 =	rddreg [dreg:$0xd]  }
0x23: {  	[tilespmem:s18], [sflag:$0xA] =	stream.linear.gather [hbm4b:s21+s4], $0x50, $0x38;
	[tilespmem:$0x1F9C8] =	vst v63  }
0x24: {  	s17 =	rddreg [dreg:$0xe]  }
0x25: {  	[tilespmem:s19], [sflag:$0xB] =	stream.linear.gather [hbm4b:s22+s4], $0x50, $0x38;
	[tilespmem:$0x1F9C8] =	vst v63  }
0x26: {  	s21 =	rddreg [dreg:$0xa]  }
0x27: {  	[tilespmem:s20], [sflag:$0xC] =	stream.linear.gather [hbm4b:s17+s4], $0x50, $0x38;
	[tilespmem:$0x1F9C8] =	vst v63  }
0x28: {  	[spmem:s15], [sflag:s14] =	dma.local [hbm:s21], $0x2981  }
0x29: {  	_ =	swait.ge [sflag:s16], $0x2981  }
0x2a: {  	[sflag:s16] =	ssyncset.done $0x0  }
0x2b: {  	p0 =	por $0x1, $0x1;
	[sflag:s16] =	ssyncadd.s32 $0xFFFFD67F  }
0x2c: {  	s11 =	simm.s32 @!p0 $0x5;
	[bflag:$0x0] =	sbarrier.arrive $0xFFFF  }
0x2d: {  	_ =	swait.ge @!p0 [sflag:s11], $0x2A80  }
0x2e: {  	[sflag:s11] =	ssyncset.done @!p0 $0x0  }
0x2f: {  	[sflag:s11] =	ssyncadd.s32 @!p0 $0xFFFFD580  }
0x30: {  	_ =	swait.ge [sflag:s23], $0x50  }
0x31: {  	[sflag:s23] =	ssyncset.done $0x0  }
0x32: {  	[sflag:s23] =	ssyncadd.s32 $0xFFFFFFB0  }
0x33: {  	v0 =	vld [tilespmem:$0x0];
	_ =	sdelay $0x1  }
0x34: {  	v1 =	vld [tilespmem:$0x10];
	_ =	sdelay $0x1  }
0x35: {  	v2 =	vld [tilespmem:$0x20]  }
0x36: {  	v4 =	vand.u32 $0xFFFF, v0  }
0x37: {  	v5 =	vld [tilespmem:$0x40];
	v0 =	vshrl.u32 v0, $0x10;
	[tilespmem:$0x140] =	vst v4  }
0x38: {  	v3 =	vld [tilespmem:$0x30];
	v4 =	vshrl.u32 v1, $0x10;
	[tilespmem:$0x280] =	vst v0  }
0x39: {  	v1 =	vand.u32 $0xFFFF, v1;
	[tilespmem:$0x290] =	vst v4  }
0x3a: {  	v4 =	vand.u32 $0xFFFF, v2;
	[tilespmem:$0x150] =	vst v1  }
0x3b: {  	v2 =	vshrl.u32 v2, $0x10;
	[tilespmem:$0x160] =	vst v4  }
0x3c: {  	v1 =	vshrl.u32 v5, $0x10;
	[tilespmem:$0x2A0] =	vst v2  }
0x3d: {  	v4 =	vand.u32 $0xFFFF, v3;
	[tilespmem:$0x2C0] =	vst v1  }
0x3e: {  	s17 =	rddreg [dreg:$0x15];
	v2 =	vand.u32 $0xFFFF, v5;
	[tilespmem:$0x170] =	vst v4  }
0x3f: {  	s22 =	sshrl.u32 s17, $0x3;
	[tilespmem:$0x180] =	vst v2;
	v2 =	vshrl.u32 v3, $0x10  }
0x40: {  	s11 =	sadd.s32 s1, s22;
	[tilespmem:$0x2B0] =	vst v2  }
0x41: {  	[tilespmem:s4], [sflag:$0x9] =	stream.linear.gather [hbm4b:s11+s4], $0x50, $0x38;
	[tilespmem:$0x1F9C8] =	vst v63  }
0x42: {  	s11 =	simm.s32 @!p0 $0x6  }
0x43: {  	[tilespmem:s25], [sflag:$0x1] =	stream.indirect.gather [hbm4b:s5+s18], $0x88, s24, s18, $0xb8;
	[tilespmem:$0x1F9C8] =	vst v63  }
0x44: {  	_ =	swait.ge @!p0 [sflag:s11], $0x2A80  }
0x45: {  	[sflag:s11] =	ssyncset.done @!p0 $0x0  }
0x46: {  	[sflag:s11] =	ssyncadd.s32 @!p0 $0xFFFFD580  }
0x47: {  	_ =	swait.ge [sflag:s26], $0x50  }
0x48: {  	[sflag:s26] =	ssyncset.done $0x0  }
0x49: {  	[sflag:s26] =	ssyncadd.s32 $0xFFFFFFB0  }
0x4a: {  	v0 =	vld [tilespmem:$0x50];
	_ =	sdelay $0x1  }
0x4b: {  	v1 =	vld [tilespmem:$0x60];
	_ =	sdelay $0x1  }
0x4c: {  	v2 =	vld [tilespmem:$0x70]  }
0x4d: {  	v4 =	vshrl.u32 v0, $0x10  }
0x4e: {  	v5 =	vld [tilespmem:$0x90];
	v0 =	vand.u32 $0xFFFF, v0;
	[tilespmem:$0x2D0] =	vst v4  }
0x4f: {  	v3 =	vld [tilespmem:$0x80];
	v4 =	vshrl.u32 v1, $0x10;
	[tilespmem:$0x190] =	vst v0  }
0x50: {  	v1 =	vand.u32 $0xFFFF, v1;
	[tilespmem:$0x2E0] =	vst v4  }
0x51: {  	v4 =	vand.u32 $0xFFFF, v2;
	[tilespmem:$0x1A0] =	vst v1  }
0x52: {  	v2 =	vshrl.u32 v2, $0x10;
	[tilespmem:$0x1B0] =	vst v4  }
0x53: {  	v1 =	vshrl.u32 v5, $0x10;
	[tilespmem:$0x2F0] =	vst v2  }
0x54: {  	v4 =	vand.u32 $0xFFFF, v3;
	[tilespmem:$0x310] =	vst v1  }
0x55: {  	v3 =	vshrl.u32 v3, $0x10;
	[tilespmem:$0x1C0] =	vst v4  }
0x56: {  	v1 =	vand.u32 $0xFFFF, v5;
	[tilespmem:$0x300] =	vst v3  }
0x57: {  	s16 =	rddreg [dreg:$0x14];
	[tilespmem:$0x1D0] =	vst v1  }
0x58: {  	[tilespmem:s18], [sflag:$0xA] =	stream.linear.gather [hbm4b:s16+s4], $0x50, $0x38;
	[tilespmem:$0x1F9C8] =	vst v63  }
0x59: {  	s11 =	simm.s32 @!p0 $0x7  }
0x5a: {  	[tilespmem:s29], [sflag:$0x2] =	stream.indirect.gather [hbm4b:s5+s18], $0x88, s28, s18, $0xb8;
	[tilespmem:$0x1F9C8] =	vst v63  }
0x5b: {  	_ =	swait.ge @!p0 [sflag:s11], $0x2A80  }
0x5c: {  	[sflag:s11] =	ssyncset.done @!p0 $0x0  }
0x5d: {  	[sflag:s11] =	ssyncadd.s32 @!p0 $0xFFFFD580  }
0x5e: {  	_ =	swait.ge [sflag:s30], $0x50  }
0x5f: {  	[sflag:s30] =	ssyncset.done $0x0  }
0x60: {  	[sflag:s30] =	ssyncadd.s32 $0xFFFFFFB0  }
0x61: {  	v0 =	vld [tilespmem:$0xD0]  }
0x62: {  	v1 =	vld [tilespmem:$0xB0]  }
0x63: {  	v2 =	vld [tilespmem:$0xC0];
	_ =	sdelay $0x2  }
0x64: {  	v3 =	vshrl.u32 v0, $0x10  }
0x65: {  	v0 =	vand.u32 $0xFFFF, v0;
	v5 =	vand.u32 $0xFFFF, v1;
	[tilespmem:$0x350] =	vst v3  }
0x66: {  	s21 =	simm.s32 $0x4;
	s11 =	simm.s32 $0x0;
	v4 =	vshrl.u32 v1, $0x10;
	v1 =	vand.u32 $0xFFFF, v2;
	v2 =	vshrl.u32 v2, $0x10;
	v3 =	vld [tilespmem:$0xE0];
	[tilespmem:$0x1F0] =	vst v5  }
.LBB2_2:
0x67: {  	_ =	sdelay $0x3  }
0x68: {  	[tilespmem:$0x330] =	vst v4;
	v4 =	vand.u32 $0xFFFF, v3  }
0x69: {  	[tilespmem:$0x220] =	vst v4;
	v4 =	vld [tilespmem:$0xA0];
	_ =	sdelay $0x1  }
0x6a: {  	[tilespmem:$0x210] =	vst v0;
	s14 =	smin.u32 s11, $0xF3  }
0x6b: {  	[tilespmem:$0x340] =	vst v2;
	s14 =	smul.u32 $0x50, s14  }
0x6c: {  	s15 =	rddreg [dreg:$0x4];
	[tilespmem:$0x200] =	vst v1;
	v3 =	vshrl.u32 v3, $0x10  }
0x6d: {  	s14 =	sadd.s32 s14, s15;
	[tilespmem:$0x360] =	vst v3;
	v0 =	vand.u32 $0xFFFF, v4  }
0x6e: {  	s14 =	sshrl.u32 s14, $0x3;
	v2 =	vshrl.u32 v4, $0x10;
	[tilespmem:$0x1E0] =	vst v0  }
0x6f: {  	s14 =	sadd.s32 s1, s14;
	[tilespmem:$0x320] =	vst v2  }
0x70: {  	[tilespmem:s19], [sflag:$0xB] =	stream.linear.gather [hbm4b:s14+s4], $0x50, $0x38;
	[tilespmem:$0x1F9C8] =	vst v63  }
0x71: {  	s15 =	rddreg [dreg:$0x6];
	s14 =	simm.s32 @!p0 $0x8  }
0x72: {  	[tilespmem:s31], [sflag:$0x3] =	stream.indirect.gather [hbm4b:s5+s18], $0x88, s15, s18, $0xb8;
	[tilespmem:$0x1F9C8] =	vst v63  }
0x73: {  	_ =	swait.ge @!p0 [sflag:s14], $0x2A80  }
0x74: {  	[sflag:s14] =	ssyncset.done @!p0 $0x0  }
0x75: {  	[sflag:s14] =	ssyncadd.s32 @!p0 $0xFFFFD580  }
0x76: {  	_ =	swait.ge [sflag:s0], $0x50  }
0x77: {  	[sflag:s0] =	ssyncset.done $0x0  }
0x78: {  	[sflag:s0] =	ssyncadd.s32 $0xFFFFFFB0  }
0x79: {  	v0 =	vld [tilespmem:$0xF0];
	_ =	sdelay $0x1  }
0x7a: {  	v1 =	vld [tilespmem:$0x100];
	_ =	sdelay $0x1  }
0x7b: {  	v2 =	vld [tilespmem:$0x110]  }
0x7c: {  	v4 =	vand.u32 $0xFFFF, v0  }
0x7d: {  	v3 =	vld [tilespmem:$0x120];
	v0 =	vshrl.u32 v0, $0x10;
	[tilespmem:$0x230] =	vst v4  }
0x7e: {  	v4 =	vand.u32 $0xFFFF, v1;
	[tilespmem:$0x370] =	vst v0  }
0x7f: {  	v1 =	vshrl.u32 v1, $0x10;
	v0 =	vld [tilespmem:$0x130];
	[tilespmem:$0x240] =	vst v4  }
0x80: {  	v4 =	vand.u32 $0xFFFF, v2;
	v2 =	vshrl.u32 v2, $0x10;
	[tilespmem:$0x380] =	vst v1  }
0x81: {  	s14 =	smin.u32 s11, $0xF2;
	[tilespmem:$0x390] =	vst v2  }
0x82: {  	s14 =	smul.u32 $0x50, s14;
	v2 =	vand.u32 $0xFFFF, v3;
	[tilespmem:$0x250] =	vst v4  }
0x83: {  	s15 =	rddreg [dreg:$0x5];
	v3 =	vshrl.u32 v3, $0x10;
	[tilespmem:$0x260] =	vst v2  }
0x84: {  	s14 =	sadd.s32 s14, s15;
	[tilespmem:$0x3A0] =	vst v3;
	v1 =	vand.u32 $0xFFFF, v0  }
0x85: {  	s14 =	sshrl.u32 s14, $0x3;
	v0 =	vshrl.u32 v0, $0x10;
	[tilespmem:$0x270] =	vst v1  }
0x86: {  	s22 =	smov.u32 s21;
	s14 =	sadd.s32 s1, s14;
	[tilespmem:$0x3B0] =	vst v0  }
0x87: {  	[tilespmem:s20], [sflag:$0xC] =	stream.linear.gather [hbm4b:s14+s4], $0x50, $0x38;
	[tilespmem:$0x1F9C8] =	vst v63  }
0x88: {  	s11 =	smov.u32 s22;
	s22 =	rddreg [dreg:$0x7]  }
0x89: {  	[tilespmem:s3], [sflag:$0x4] =	stream.indirect.gather [hbm4b:s5+s18], $0x88, s22, s18, $0xb8;
	[tilespmem:$0x1F9C8] =	vst v63  }
0x8a: {  	_ =	swait.ge [sflag:s6], $0x2A80  }
0x8b: {  	[sflag:s6] =	ssyncset.done $0x0  }
0x8c: {  	[sflag:s6] =	ssyncadd.s32 $0xFFFFD580  }
0x8d: {  	[spmem:s2] =	stream.indirect.scatter.add.f32 [tilespmem:s25], [sflag:$0x5], $0x88, s8, s18, $0xb8;
	[tilespmem:$0x1F9C8] =	vst v63  }
0x8e: {  	_ =	swait.ge [sflag:s9], $0x2A80  }
0x8f: {  	[sflag:s9] =	ssyncset.done $0x0  }
0x90: {  	[sflag:s9] =	ssyncadd.s32 $0xFFFFD580  }
0x91: {  	[spmem:s2] =	stream.indirect.scatter.add.f32 [tilespmem:s29], [sflag:$0x6], $0x88, s10, s18, $0xb8;
	[tilespmem:$0x1F9C8] =	vst v63  }
0x92: {  	_ =	swait.ge [sflag:s12], $0x2A80  }
0x93: {  	[sflag:s12] =	ssyncset.done $0x0  }
0x94: {  	s15 =	rddreg [dreg:$0x8];
	[sflag:s12] =	ssyncadd.s32 $0xFFFFD580  }
0x95: {  	[spmem:s2] =	stream.indirect.scatter.add.f32 [tilespmem:s31], [sflag:$0x7], $0x88, s15, s18, $0xb8;
	[tilespmem:$0x1F9C8] =	vst v63  }
0x96: {  	_ =	swait.ge [sflag:s13], $0x2A80  }
0x97: {  	p0 =	seq.s32 s11, $0x0;
	[sflag:s13] =	ssyncset.done $0x0  }
0x98: {  	s15 =	simm.s32 @!p0 $0x5;
	s22 =	rddreg [dreg:$0x9];
	[sflag:s13] =	ssyncadd.s32 $0xFFFFD580  }
0x99: {  	[spmem:s2] =	stream.indirect.scatter.add.f32 [tilespmem:s3], [sflag:$0x8], $0x88, s22, s18, $0xb8;
	[tilespmem:$0x1F9C8] =	vst v63  }
0x9a: {  	_ =	swait.ge @!p0 [sflag:s15], $0x2A80  }
0x9b: {  	[sflag:s15] =	ssyncset.done @!p0 $0x0  }
0x9c: {  	[sflag:s15] =	ssyncadd.s32 @!p0 $0xFFFFD580  }
0x9d: {  	_ =	swait.ge [sflag:s23], $0x50  }
0x9e: {  	[sflag:s23] =	ssyncset.done $0x0  }
0x9f: {  	[sflag:s23] =	ssyncadd.s32 $0xFFFFFFB0  }
0xa0: {  	v0 =	vld [tilespmem:$0x0];
	_ =	sdelay $0x1  }
0xa1: {  	v1 =	vld [tilespmem:$0x10];
	_ =	sdelay $0x1  }
0xa2: {  	v2 =	vld [tilespmem:$0x20]  }
0xa3: {  	v5 =	vand.u32 $0xFFFF, v0  }
0xa4: {  	v3 =	vld [tilespmem:$0x30];
	v0 =	vshrl.u32 v0, $0x10;
	[tilespmem:$0x140] =	vst v5  }
0xa5: {  	v5 =	vand.u32 $0xFFFF, v1;
	v1 =	vshrl.u32 v1, $0x10;
	[tilespmem:$0x280] =	vst v0  }
0xa6: {  	v4 =	vld [tilespmem:$0x40];
	[tilespmem:$0x290] =	vst v1  }
0xa7: {  	v1 =	vand.u32 $0xFFFF, v2;
	[tilespmem:$0x150] =	vst v5  }
0xa8: {  	v2 =	vshrl.u32 v2, $0x10;
	[tilespmem:$0x160] =	vst v1  }
0xa9: {  	v1 =	vand.u32 $0xFFFF, v3;
	[tilespmem:$0x2A0] =	vst v2  }
0xaa: {  	v3 =	vshrl.u32 v3, $0x10;
	[tilespmem:$0x170] =	vst v1  }
0xab: {  	s17 =	sadd.s32 $0x140, s17;
	v1 =	vand.u32 $0xFFFF, v4;
	[tilespmem:$0x2B0] =	vst v3  }
0xac: {  	s22 =	sshrl.u32 s17, $0x3;
	v4 =	vshrl.u32 v4, $0x10;
	[tilespmem:$0x180] =	vst v1  }
0xad: {  	s14 =	sadd.s32 s1, s22;
	[tilespmem:$0x2C0] =	vst v4  }
0xae: {  	[tilespmem:s4], [sflag:$0x9] =	stream.linear.gather [hbm4b:s14+s4], $0x50, $0x38;
	[tilespmem:$0x1F9C8] =	vst v63  }
0xaf: {  	s14 =	simm.s32 @!p0 $0x6  }
0xb0: {  	[tilespmem:s25], [sflag:$0x1] =	stream.indirect.gather [hbm4b:s5+s18], $0x88, s24, s18, $0xb8;
	[tilespmem:$0x1F9C8] =	vst v63  }
0xb1: {  	_ =	swait.ge @!p0 [sflag:s14], $0x2A80  }
0xb2: {  	[sflag:s14] =	ssyncset.done @!p0 $0x0  }
0xb3: {  	[sflag:s14] =	ssyncadd.s32 @!p0 $0xFFFFD580  }
0xb4: {  	_ =	swait.ge [sflag:s26], $0x50  }
0xb5: {  	[sflag:s26] =	ssyncset.done $0x0  }
0xb6: {  	[sflag:s26] =	ssyncadd.s32 $0xFFFFFFB0  }
0xb7: {  	v0 =	vld [tilespmem:$0x50];
	_ =	sdelay $0x1  }
0xb8: {  	v1 =	vld [tilespmem:$0x60];
	_ =	sdelay $0x1  }
0xb9: {  	v2 =	vld [tilespmem:$0x70]  }
0xba: {  	v4 =	vand.u32 $0xFFFF, v0;
	v0 =	vshrl.u32 v0, $0x10  }
0xbb: {  	v5 =	vld [tilespmem:$0x90];
	[tilespmem:$0x2D0] =	vst v0  }
0xbc: {  	v3 =	vld [tilespmem:$0x80];
	v0 =	vand.u32 $0xFFFF, v1;
	v1 =	vshrl.u32 v1, $0x10;
	[tilespmem:$0x190] =	vst v4  }
0xbd: {  	[tilespmem:$0x2E0] =	vst v1  }
0xbe: {  	v1 =	vand.u32 $0xFFFF, v2;
	[tilespmem:$0x1A0] =	vst v0  }
0xbf: {  	v2 =	vshrl.u32 v2, $0x10;
	[tilespmem:$0x1B0] =	vst v1  }
0xc0: {  	v0 =	vand.u32 $0xFFFF, v5;
	[tilespmem:$0x2F0] =	vst v2  }
0xc1: {  	v1 =	vand.u32 $0xFFFF, v3;
	[tilespmem:$0x1D0] =	vst v0  }
0xc2: {  	v3 =	vshrl.u32 v3, $0x10;
	[tilespmem:$0x1C0] =	vst v1  }
0xc3: {  	[tilespmem:$0x300] =	vst v3;
	v1 =	vshrl.u32 v5, $0x10  }
0xc4: {  	s16 =	sadd.s32 $0x28, s16;
	[tilespmem:$0x310] =	vst v1  }
0xc5: {  	[tilespmem:s18], [sflag:$0xA] =	stream.linear.gather [hbm4b:s16+s4], $0x50, $0x38;
	[tilespmem:$0x1F9C8] =	vst v63  }
0xc6: {  	s14 =	simm.s32 @!p0 $0x7  }
0xc7: {  	[tilespmem:s29], [sflag:$0x2] =	stream.indirect.gather [hbm4b:s5+s18], $0x88, s28, s18, $0xb8;
	[tilespmem:$0x1F9C8] =	vst v63  }
0xc8: {  	_ =	swait.ge @!p0 [sflag:s14], $0x2A80  }
0xc9: {  	[sflag:s14] =	ssyncset.done @!p0 $0x0  }
0xca: {  	[sflag:s14] =	ssyncadd.s32 @!p0 $0xFFFFD580  }
0xcb: {  	_ =	swait.ge [sflag:s30], $0x50  }
0xcc: {  	[sflag:s30] =	ssyncset.done $0x0  }
0xcd: {  	[sflag:s30] =	ssyncadd.s32 $0xFFFFFFB0  }
0xce: {  	v1 =	vld [tilespmem:$0xD0]  }
0xcf: {  	s21 =	sadd.s32 $0x4, s21;
	v2 =	vld [tilespmem:$0xB0]  }
0xd0: {  	p1 =	sne.s32 s21, $0xF8;
	v5 =	vld [tilespmem:$0xC0]  }
.Ltmp0:
0xd1: {  	_ = 	snop;
	(pc) =	sbr.rel @p1 .LBB2_2-.Ltmp0, $4  }
0xd2: {  	_ = 	snop  }
0xd3: {  	v0 =	vand.u32 $0xFFFF, v1;
	v1 =	vshrl.u32 v1, $0x10  }
0xd4: {  	v6 =	vand.u32 $0xFFFF, v2;
	[tilespmem:$0x350] =	vst v1  }
0xd5: {  	v3 =	vld [tilespmem:$0xE0];
	v4 =	vshrl.u32 v2, $0x10;
	v2 =	vshrl.u32 v5, $0x10;
	[tilespmem:$0x1F0] =	vst v6;
	v1 =	vand.u32 $0xFFFF, v5  }
0xd6: {  	_ = 	snop  }
0xd7: {  	[tilespmem:$0x330] =	vst v4;
	v5 =	vld [tilespmem:$0xA0]  }
0xd8: {  	[tilespmem:$0x210] =	vst v0  }
0xd9: {  	s14 =	smin.u32 s11, $0xF3;
	[tilespmem:$0x340] =	vst v2  }
0xda: {  	[tilespmem:$0x200] =	vst v1;
	s14 =	smul.u32 $0x50, s14;
	v20 =	vand.u32 $0xFFFF, v3  }
0xdb: {  	s15 =	rddreg [dreg:$0x4];
	v21 =	vshrl.u32 v3, $0x10;
	[tilespmem:$0x220] =	vst v20  }
0xdc: {  	s14 =	sadd.s32 s14, s15;
	[tilespmem:$0x360] =	vst v21;
	v22 =	vand.u32 $0xFFFF, v5  }
0xdd: {  	s14 =	sshrl.u32 s14, $0x3;
	v23 =	vshrl.u32 v5, $0x10;
	[tilespmem:$0x1E0] =	vst v22  }
0xde: {  	s14 =	sadd.s32 s1, s14;
	[tilespmem:$0x320] =	vst v23  }
0xdf: {  	[tilespmem:s19], [sflag:$0xB] =	stream.linear.gather [hbm4b:s14+s4], $0x50, $0x38;
	[tilespmem:$0x1F9C8] =	vst v63  }
0xe0: {  	s16 =	rddreg [dreg:$0x6];
	s14 =	simm.s32 @!p0 $0x8  }
0xe1: {  	[tilespmem:s31], [sflag:$0x3] =	stream.indirect.gather [hbm4b:s5+s18], $0x88, s16, s18, $0xb8;
	[tilespmem:$0x1F9C8] =	vst v63  }
0xe2: {  	_ =	swait.ge @!p0 [sflag:s14], $0x2A80  }
0xe3: {  	[sflag:s14] =	ssyncset.done @!p0 $0x0  }
0xe4: {  	[sflag:s14] =	ssyncadd.s32 @!p0 $0xFFFFD580  }
0xe5: {  	_ =	swait.ge [sflag:s0], $0x50  }
0xe6: {  	[sflag:s0] =	ssyncset.done $0x0  }
0xe7: {  	[sflag:s0] =	ssyncadd.s32 $0xFFFFFFB0  }
0xe8: {  	v24 =	vld [tilespmem:$0xF0]  }
0xe9: {  	v25 =	vld [tilespmem:$0x100]  }
0xea: {  	v26 =	vld [tilespmem:$0x110];
	_ =	sdelay $0x1  }
0xeb: {  	v27 =	vld [tilespmem:$0x120]  }
0xec: {  	v28 =	vand.u32 $0xFFFF, v24  }
0xed: {  	v29 =	vand.u32 $0xFFFF, v25;
	[tilespmem:$0x230] =	vst v28  }
0xee: {  	v30 =	vshrl.u32 v26, $0x10;
	[tilespmem:$0x240] =	vst v29  }
0xef: {  	v31 =	vld [tilespmem:$0x130];
	v0 =	vshrl.u32 v24, $0x10;
	[tilespmem:$0x390] =	vst v30  }
0xf0: {  	v32 =	vand.u32 $0xFFFF, v27;
	[tilespmem:$0x370] =	vst v0  }
0xf1: {  	s17 =	smin.u32 s11, $0xF2;
	v3 =	vshrl.u32 v27, $0x10;
	[tilespmem:$0x260] =	vst v32  }
0xf2: {  	s11 =	smul.u32 $0x50, s17;
	v33 =	vand.u32 $0xFFFF, v26;
	[tilespmem:$0x3A0] =	vst v3  }
0xf3: {  	s21 =	rddreg [dreg:$0x5];
	v1 =	vshrl.u32 v25, $0x10;
	[tilespmem:$0x250] =	vst v33  }
0xf4: {  	s11 =	sadd.s32 s11, s21;
	v34 =	vand.u32 $0xFFFF, v31;
	[tilespmem:$0x380] =	vst v1  }
0xf5: {  	s11 =	sshrl.u32 s11, $0x3;
	v35 =	vshrl.u32 v31, $0x10;
	[tilespmem:$0x270] =	vst v34  }
0xf6: {  	s11 =	sadd.s32 s1, s11;
	[tilespmem:$0x3B0] =	vst v35  }
0xf7: {  	[tilespmem:s20], [sflag:$0xC] =	stream.linear.gather [hbm4b:s11+s4], $0x50, $0x38;
	[tilespmem:$0x1F9C8] =	vst v63  }
0xf8: {  	s22 =	rddreg [dreg:$0x7]  }
0xf9: {  	[tilespmem:s3], [sflag:$0x4] =	stream.indirect.gather [hbm4b:s5+s18], $0x88, s22, s18, $0xb8;
	[tilespmem:$0x1F9C8] =	vst v63  }
0xfa: {  	_ =	swait.ge [sflag:s6], $0x2A80  }
0xfb: {  	[sflag:s6] =	ssyncset.done $0x0  }
0xfc: {  	[sflag:s6] =	ssyncadd.s32 $0xFFFFD580  }
0xfd: {  	[spmem:s2] =	stream.indirect.scatter.add.f32 [tilespmem:s25], [sflag:$0x5], $0x88, s8, s18, $0xb8;
	[tilespmem:$0x1F9C8] =	vst v63  }
0xfe: {  	_ =	swait.ge [sflag:s9], $0x2A80  }
0xff: {  	[sflag:s9] =	ssyncset.done $0x0  }
0x100: {  	[sflag:s9] =	ssyncadd.s32 $0xFFFFD580  }
0x101: {  	[spmem:s2] =	stream.indirect.scatter.add.f32 [tilespmem:s29], [sflag:$0x6], $0x88, s10, s18, $0xb8;
	[tilespmem:$0x1F9C8] =	vst v63  }
0x102: {  	_ =	swait.ge [sflag:s12], $0x2A80  }
0x103: {  	[sflag:s12] =	ssyncset.done $0x0  }
0x104: {  	s15 =	rddreg [dreg:$0x8];
	[sflag:s12] =	ssyncadd.s32 $0xFFFFD580  }
0x105: {  	[spmem:s2] =	stream.indirect.scatter.add.f32 [tilespmem:s31], [sflag:$0x7], $0x88, s15, s18, $0xb8;
	[tilespmem:$0x1F9C8] =	vst v63  }
0x106: {  	_ =	swait.ge [sflag:s13], $0x2A80  }
0x107: {  	[sflag:s13] =	ssyncset.done $0x0  }
0x108: {  	s17 =	simm.s32 $0x5;
	s16 =	rddreg [dreg:$0x9];
	[sflag:s13] =	ssyncadd.s32 $0xFFFFD580  }
0x109: {  	[spmem:s2] =	stream.indirect.scatter.add.f32 [tilespmem:s3], [sflag:$0x8], $0x88, s16, s18, $0xb8;
	[tilespmem:$0x1F9C8] =	vst v63  }
0x10a: {  	_ =	swait.ge [sflag:s17], $0x2A80  }
0x10b: {  	[sflag:s17] =	ssyncset.done $0x0  }
0x10c: {  	[sflag:s17] =	ssyncadd.s32 $0xFFFFD580  }
0x10d: {  	_ =	swait.ge [sflag:s23], $0x50  }
0x10e: {  	[sflag:s23] =	ssyncset.done $0x0  }
0x10f: {  	s15 =	simm.s32 $0x6;
	[sflag:s23] =	ssyncadd.s32 $0xFFFFFFB0  }
0x110: {  	_ =	swait.ge [sflag:s15], $0x2A80  }
0x111: {  	[sflag:s15] =	ssyncset.done $0x0  }
0x112: {  	[sflag:s15] =	ssyncadd.s32 $0xFFFFD580  }
0x113: {  	_ =	swait.ge [sflag:s26], $0x50  }
0x114: {  	[sflag:s26] =	ssyncset.done $0x0  }
0x115: {  	s21 =	simm.s32 $0x7;
	[sflag:s26] =	ssyncadd.s32 $0xFFFFFFB0  }
0x116: {  	_ =	swait.ge [sflag:s21], $0x2A80  }
0x117: {  	[sflag:s21] =	ssyncset.done $0x0  }
0x118: {  	[sflag:s21] =	ssyncadd.s32 $0xFFFFD580  }
0x119: {  	_ =	swait.ge [sflag:s30], $0x50  }
0x11a: {  	[sflag:s30] =	ssyncset.done $0x0  }
0x11b: {  	s22 =	simm.s32 $0x8;
	[sflag:s30] =	ssyncadd.s32 $0xFFFFFFB0  }
0x11c: {  	_ =	swait.ge [sflag:s22], $0x2A80  }
0x11d: {  	[sflag:s22] =	ssyncset.done $0x0  }
0x11e: {  	[sflag:s22] =	ssyncadd.s32 $0xFFFFD580  }
0x11f: {  	_ =	swait.ge [sflag:s0], $0x50  }
0x120: {  	[sflag:s0] =	ssyncset.done $0x0  }
0x121: {  	s16 =	rddreg [dreg:$0x10];
	[sflag:s0] =	ssyncadd.s32 $0xFFFFFFB0  }
0x122: {  	[tilespmem:s4], [sflag:$0x9] =	stream.linear.gather [hbm4b:s16+s4], $0x50, $0x38;
	[tilespmem:$0x1F9C8] =	vst v63  }
0x123: {  	_ =	swait.ge [sflag:s23], $0x50  }
0x124: {  	[sflag:s23] =	ssyncset.done $0x0  }
0x125: {  	[sflag:s23] =	ssyncadd.s32 $0xFFFFFFB0  }
0x126: {  	v36 =	vld [tilespmem:$0x0];
	_ =	sdelay $0x1  }
0x127: {  	v37 =	vld [tilespmem:$0x10];
	_ =	sdelay $0x1  }
0x128: {  	v38 =	vld [tilespmem:$0x20]  }
0x129: {  	v39 =	vand.u32 $0xFFFF, v36  }
0x12a: {  	v40 =	vld [tilespmem:$0x30];
	v0 =	vshrl.u32 v36, $0x10;
	[tilespmem:$0x140] =	vst v39  }
0x12b: {  	v41 =	vand.u32 $0xFFFF, v37;
	[tilespmem:$0x280] =	vst v0  }
0x12c: {  	v43 =	vld [tilespmem:$0x40];
	v42 =	vshrl.u32 v37, $0x10;
	[tilespmem:$0x150] =	vst v41  }
0x12d: {  	v44 =	vand.u32 $0xFFFF, v38;
	[tilespmem:$0x290] =	vst v42  }
0x12e: {  	v45 =	vshrl.u32 v38, $0x10;
	[tilespmem:$0x160] =	vst v44  }
0x12f: {  	v46 =	vand.u32 $0xFFFF, v40;
	[tilespmem:$0x2A0] =	vst v45  }
0x130: {  	v47 =	vshrl.u32 v40, $0x10;
	[tilespmem:$0x170] =	vst v46  }
0x131: {  	v48 =	vand.u32 $0xFFFF, v43;
	[tilespmem:$0x2B0] =	vst v47  }
0x132: {  	v49 =	vshrl.u32 v43, $0x10;
	[tilespmem:$0x180] =	vst v48  }
0x133: {  	[tilespmem:$0x2C0] =	vst v49  }
0x134: {  	[tilespmem:s25], [sflag:$0x1] =	stream.indirect.gather [hbm4b:s5+s18], $0x88, s24, s18, $0xb8;
	[tilespmem:$0x1F9C8] =	vst v63  }
0x135: {  	_ =	swait.ge [sflag:s6], $0x2A80  }
0x136: {  	[sflag:s6] =	ssyncset.done $0x0  }
0x137: {  	[sflag:s6] =	ssyncadd.s32 $0xFFFFD580  }
0x138: {  	[spmem:s2] =	stream.indirect.scatter.add.f32 [tilespmem:s25], [sflag:$0x5], $0x88, s8, s18, $0xb8;
	[tilespmem:$0x1F9C8] =	vst v63  }
0x139: {  	_ =	swait.ge [sflag:s17], $0x2A80  }
0x13a: {  	[sflag:s17] =	ssyncset.done $0x0  }
0x13b: {  	[sflag:s17] =	ssyncadd.s32 $0xFFFFD580;
	s17 =	rddreg [dreg:$0x11]  }
0x13c: {  	[tilespmem:s18], [sflag:$0xA] =	stream.linear.gather [hbm4b:s17+s4], $0x50, $0x38;
	[tilespmem:$0x1F9C8] =	vst v63  }
0x13d: {  	_ =	swait.ge [sflag:s26], $0x50  }
0x13e: {  	[sflag:s26] =	ssyncset.done $0x0  }
0x13f: {  	[sflag:s26] =	ssyncadd.s32 $0xFFFFFFB0  }
0x140: {  	v50 =	vld [tilespmem:$0x50];
	_ =	sdelay $0x1  }
0x141: {  	v51 =	vld [tilespmem:$0x60];
	_ =	sdelay $0x1  }
0x142: {  	v52 =	vld [tilespmem:$0x70]  }
0x143: {  	v53 =	vand.u32 $0xFFFF, v50  }
0x144: {  	v54 =	vld [tilespmem:$0x80];
	v0 =	vshrl.u32 v50, $0x10;
	[tilespmem:$0x190] =	vst v53  }
0x145: {  	v55 =	vand.u32 $0xFFFF, v51;
	[tilespmem:$0x2D0] =	vst v0  }
0x146: {  	v57 =	vld [tilespmem:$0x90];
	v56 =	vshrl.u32 v51, $0x10;
	[tilespmem:$0x1A0] =	vst v55  }
0x147: {  	v58 =	vand.u32 $0xFFFF, v52;
	[tilespmem:$0x2E0] =	vst v56  }
0x148: {  	v59 =	vshrl.u32 v52, $0x10;
	[tilespmem:$0x1B0] =	vst v58  }
0x149: {  	v60 =	vand.u32 $0xFFFF, v54;
	[tilespmem:$0x2F0] =	vst v59  }
0x14a: {  	v61 =	vshrl.u32 v54, $0x10;
	[tilespmem:$0x1C0] =	vst v60  }
0x14b: {  	v62 =	vand.u32 $0xFFFF, v57;
	[tilespmem:$0x300] =	vst v61  }
0x14c: {  	v63 =	vshrl.u32 v57, $0x10;
	[tilespmem:$0x1D0] =	vst v62  }
0x14d: {  	[tilespmem:$0x310] =	vst v63  }
0x14e: {  	[tilespmem:s29], [sflag:$0x2] =	stream.indirect.gather [hbm4b:s5+s18], $0x88, s28, s18, $0xb8;
	[tilespmem:$0x1F9C8] =	vst v63  }
0x14f: {  	_ =	swait.ge [sflag:s9], $0x2A80  }
0x150: {  	[sflag:s9] =	ssyncset.done $0x0  }
0x151: {  	[sflag:s9] =	ssyncadd.s32 $0xFFFFD580  }
0x152: {  	[spmem:s2] =	stream.indirect.scatter.add.f32 [tilespmem:s29], [sflag:$0x6], $0x88, s10, s18, $0xb8;
	[tilespmem:$0x1F9C8] =	vst v63  }
0x153: {  	_ =	swait.ge [sflag:s15], $0x2A80  }
0x154: {  	[sflag:s15] =	ssyncset.done $0x0  }
0x155: {  	[sflag:s15] =	ssyncadd.s32 $0xFFFFD580  }
0x156: {  	[bflag:$0x0] =	sbarrier.arrive $0xFFFF  }
0x157: {  	s14 =	rddreg [dreg:$0xf]  }
0x158: {  	s21 =	rddreg [dreg:$0x13]  }
0x159: {  	s16 =	simm.s32 $0xD;
	s15 =	rddreg [dreg:$0x16]  }
0x15a: {  	[hbm:s21], [sflag:s14] =	dma.local [spmem:s15], $0x2981  }
0x15b: {  	_ =	swait.ge [sflag:s16], $0x2981  }
0x15c: {  	s7 =	sadd.s32 $0x1, s7;
	s22 =	rddreg [dreg:$0x12]  }
0x15d: {  	p0 =	sne.s32 s7, s22  }
.Ltmp1:
0x15e: {  	_ = 	snop;
	(pc) =	sbr.rel @p0 .LBB2_1-.Ltmp1, $3  }
0x15f: {  	_ =	sdelay $0x1  }
0x160: {  	[sflag:s16] =	ssyncset.done $0x0  }
0x161: {  	[sflag:s16] =	ssyncadd.s32 $0xFFFFD67F  }
0x162: {  	_ =	sfence.sel $0x180000  }
0x163: {  	[bflag:$0x0] =	sbarrier.arrive $0xFFFF  }
0x164: {  	_ =	strace $0x90000047  }
0x165: {  	s0 =	stileid.u32;
	[bflag:$0x2] =	sbarrier.arrive $0xFFFF  }
0x166: {  	p0 =	sne.s32 s0, $0x0;
	s0 =	rddreg [dreg:$0x3]  }
0x167: {  	s0 =	sadd.s32 @!p0 $0x100000, s0  }
0x168: {  	[sflag:s0] =	ssyncadd.tile.s32 @!p0 $0x1;
	_ =	shalt  }
.Lfunc_end2:
_tile_overlayer_lowered:
.L_overlay_start_2:
0x169: {  	(tag) =	ssettag $0x2  }
0x16a: {  	s0 =	rddreg [dreg:$0x0];
	s2 =	stileid.u32  }
0x16b: {  	s1 =	rddreg [dreg:$0x1];
	p0 =	sne.s32 s2, $0x0  }
0x16c: {  	s3 =	rddreg [dreg:$0x2];
	[bflag:$0x3] =	sbarrier.arrive $0xFFFF;
	s2 =	simm.s32 @!p0 $0x1C0D  }
0x16d: {  	[timem:s3], [sflag:s2] =	dma.local @!p0 [hbm:s0], s1  }
0x16e: {  	s0 =	simm.s32 @!p0 $0xD  }
0x16f: {  	_ =	swait.ge @!p0 [sflag:s0], s1  }
0x170: {  	s1 =	ssub.s32 @!p0 $0x0, s1;
	[sflag:s0] =	ssyncset.done @!p0 $0x0  }
0x171: {  	[sflag:s0] =	ssyncadd.s32 @!p0 s1  }
0x172: {  	[bflag:$0x3] =	sbarrier.arrive $0xFFFF  }
0x173: {  	_ =	shalt  }

</sc_bundles>
